<compile_context>
chip_gen: v7x
topology: tpu7x:2x2x1
jax: 0.10.2.dev20260603
libtpu: 0.0.44.dev20260713+nightly
codegen_flags: <defaults>
</compile_context>

<pallas_src>
import jax
import jax.numpy as jnp
from jax import lax
from jax.experimental import pallas as pl
from jax.experimental.pallas import tpu as pltpu
from jax.experimental.pallas import tpu_sc as plsc

GAMMA_F = 1.0
QMIN = -10.0
QMAX = 10.0
QBINS = 64
PMIN = -10.0
PMAX = 10.0
PBINS = 64
B = 4
N = 32768
NX = 128

DQ = (QMAX - QMIN) / QBINS
DP = (PMAX - PMIN) / PBINS
NBINS = QBINS * PBINS
NORM = float((GAMMA_F / jnp.pi) ** 0.25)

TOT = B * N
NTILES = 16
CHUNK = TOT // NTILES
GROUPS = CHUNK // 16
ROWS = NBINS // 16
NT1 = N // 128
TPT = CHUNK // 128


def _tables_body(xr_ref, pr_ref, pi_ref, mag_ref, sum_ref):
    x = xr_ref[...]
    pre = pr_ref[...]
    pim = pi_ref[...]

    k = lax.broadcasted_iota(jnp.int32, (1, NX), 1)
    xm = pltpu.roll(x, 1, 1)
    xp = pltpu.roll(x, NX - 1, 1)
    hi = jnp.where(k == NX - 1, x, xp)
    lo = jnp.where(k == 0, x, xm)
    w = 0.5 * (hi - lo)

    hq = QBINS // 2
    qidx = lax.broadcasted_iota(jnp.int32, (hq, NX), 0).astype(jnp.float32)
    qce = (2.0 * qidx + 0.5) * DQ + QMIN
    qco = (2.0 * qidx + 1.5) * DQ + QMIN
    de = x - qce
    do = x - qco
    me = w * jnp.exp((-0.5 * GAMMA_F) * de * de)
    mo = w * jnp.exp((-0.5 * GAMMA_F) * do * do)

    pidx = lax.broadcasted_iota(jnp.int32, (PBINS, NX), 0).astype(jnp.float32)
    pc = (pidx + 0.5) * DP + PMIN
    ang = pc * x
    c = jnp.cos(ang)
    s = jnp.sin(ang)
    p1t = pre * c + pim * s
    p2t = pim * c - pre * s

    dn = (((1,), (1,)), ((), ()))
    r = jnp.concatenate(
        [lax.dot_general(me, p1t, dn, preferred_element_type=jnp.float32),
         lax.dot_general(mo, p1t, dn, preferred_element_type=jnp.float32)],
        axis=1)
    im = jnp.concatenate(
        [lax.dot_general(me, p2t, dn, preferred_element_type=jnp.float32),
         lax.dot_general(mo, p2t, dn, preferred_element_type=jnp.float32)],
        axis=1)

    rr = lax.broadcasted_iota(jnp.int32, (hq, 2 * PBINS), 0)
    cc = lax.broadcasted_iota(jnp.int32, (hq, 2 * PBINS), 1)
    q2 = ((2 * rr + (cc >> 6)).astype(jnp.float32) + 0.5) * DQ + QMIN
    p2c = ((cc & (PBINS - 1)).astype(jnp.float32) + 0.5) * DP + PMIN
    a2 = q2 * p2c
    cq = jnp.cos(a2)
    sq = jnp.sin(a2)

    mag_ref[...] = (NORM * NORM) * (r * r + im * im)
    sum_ref[...] = NORM * (r * (cq + sq) + im * (cq - sq))


def _compute_tables(spl_x, spl_psi_re, spl_psi_im):
    return pl.pallas_call(
        _tables_body,
        out_shape=(
            jax.ShapeDtypeStruct((QBINS // 2, 2 * PBINS), jnp.float32),
            jax.ShapeDtypeStruct((QBINS // 2, 2 * PBINS), jnp.float32),
        ),
    )(
        spl_x.reshape(1, NX),
        spl_psi_re.reshape(1, NX),
        spl_psi_im.reshape(1, NX),
    )


def _sc_body(trajs_hbm, fac_hbm, mag_hbm, sum_hbm, out_hbm,
             q_v, p_v, fac_v, bins_v, pres_v, sbin_v, inv_v, mag_v, sum_v,
             srow_v, u_v, partv_v, part2v_v, accv_v, outv_v,
             idx_a, idx_b, idx_sa, idx_sb,
             sem,
             pres_sh, inv_sh, u_sh, s_sh, part_sh, part2_sh):
    wid = lax.axis_index("s")
    brow = wid // 4
    boff = brow * ROWS
    nt = (wid % 4) * TPT

    cq = pltpu.make_async_copy(trajs_hbm.at[brow, pl.ds(nt, TPT), 0, :], q_v, sem)
    cp = pltpu.make_async_copy(trajs_hbm.at[brow, pl.ds(nt, TPT), 1, :], p_v, sem)
    cf = pltpu.make_async_copy(fac_hbm.at[pl.ds(nt, TPT), brow, :], fac_v, sem)
    cm = pltpu.make_async_copy(mag_hbm, mag_v, sem)
    cs = pltpu.make_async_copy(sum_hbm, sum_v, sem)
    for c in (cq, cp, cf, cm, cs):
        c.start()

    zeros16 = jnp.zeros((16,), jnp.float32)
    lane = lax.iota(jnp.int32, 16)

    def zero_body(i, _):
        pres_v[i] = zeros16
        sbin_v[i] = zeros16
        return 0

    lax.fori_loop(0, ROWS, zero_body, 0)

    def idx_body(i, _):
        v = lane + i * 16
        idx_a[pl.ds(i * 16, 16)] = v
        idx_b[pl.ds(i * 16, 16)] = v + 128
        idx_sa[pl.ds(i * 16, 16)] = v + boff
        idx_sb[pl.ds(i * 16, 16)] = v + 128 + boff
        return 0

    lax.fori_loop(0, 8, idx_body, 0)

    @pl.when(wid == 0)
    def _():
        pltpu.sync_copy(pres_v, pres_sh)
        for rr in range(B):
            pltpu.sync_copy(sbin_v, s_sh.at[pl.ds(rr * ROWS, ROWS)])

    for c in (cq, cp, cf, cm, cs):
        c.wait()

    plsc.subcore_barrier()

    ones16 = jnp.full((16,), 1.0, jnp.float32)

    @plsc.parallel_loop(0, GROUPS, carry=zeros16, unroll=4)
    def acc(g, a):
        r = g >> 3
        o = (g & 7) * 16
        q = q_v[r, pl.ds(o, 16)]
        p = p_v[r, pl.ds(o, 16)]
        f = fac_v[r, pl.ds(o, 16)]
        qb = (q * (1.0 / DQ) + (-QMIN / DQ)).astype(jnp.int32)
        pb = (p * (1.0 / DP) + (-PMIN / DP)).astype(jnp.int32)
        qb = jnp.clip(qb, 0, QBINS - 1)
        pb = jnp.clip(pb, 0, PBINS - 1)
        bn = qb * PBINS + pb
        bins_v[pl.ds(g * 16, 16)] = bn
        hi = bn >> 4
        lo = bn & 15
        plsc.store_scatter(pres_v, [hi, lo], ones16)
        plsc.addupdate_scatter(sbin_v, [hi, lo], f)
        return a + plsc.load_gather(mag_v, [bn])

    accv_v[...] = acc
    pltpu.sync_copy(accv_v, part_sh.at[wid])

    pltpu.sync_copy(pres_v.at[pl.ds(0, 128)], pres_sh.at[idx_a], add=True)
    pltpu.sync_copy(pres_v.at[pl.ds(128, 128)], pres_sh.at[idx_b], add=True)
    pltpu.sync_copy(sbin_v.at[pl.ds(0, 128)], s_sh.at[idx_sa], add=True)
    pltpu.sync_copy(sbin_v.at[pl.ds(128, 128)], s_sh.at[idx_sb], add=True)
    plsc.subcore_barrier()

    @pl.when(wid == 0)
    def _():
        pltpu.sync_copy(pres_sh, srow_v)

        def rank_body(i, c):
            pres = srow_v[i]
            present = pres > 0.0
            isn = present.astype(jnp.int32)
            cs = lax.cumsum(isn, axis=0)
            rk = c + cs - isn
            rk = jnp.where(present, rk, NBINS)
            plsc.store_scatter(inv_v, [rk >> 4, rk & 15], lane + i * 16)
            return c + jnp.sum(isn)

        u = lax.fori_loop(0, ROWS, rank_body, jnp.int32(0))
        u_v[...] = jnp.zeros((16,), jnp.int32) + u
        pltpu.sync_copy(inv_v.at[pl.ds(0, ROWS)], inv_sh)
        pltpu.sync_copy(u_v, u_sh)

    plsc.subcore_barrier()

    @pl.when(wid % 4 == 0)
    def _():
        pltpu.sync_copy(s_sh.at[pl.ds(boff, ROWS)], sbin_v)
        pltpu.sync_copy(inv_sh, inv_v.at[pl.ds(0, ROWS)])
        pltpu.sync_copy(u_sh, u_v)
        u = u_v[...]

        @plsc.parallel_loop(0, ROWS, carry=zeros16, unroll=4)
        def acc2(i, a2):
            jv = lane + i * 16
            iv = inv_v[i] & (NBINS - 1)
            sv = plsc.load_gather(sbin_v, [iv >> 4, iv & 15])
            sv = jnp.where(jv < u, sv, 0.0)
            bn = bins_v[pl.ds(i * 16, 16)]
            gs = plsc.load_gather(sum_v, [bn])
            return a2 + 20000.0 * sv * sv + 200.0 * sv * gs
        accv_v[...] = acc2
        pltpu.sync_copy(accv_v, part2_sh.at[brow])

    plsc.subcore_barrier()

    @pl.when(wid == 0)
    def _():
        pltpu.sync_copy(part_sh, partv_v)
        pltpu.sync_copy(part2_sh, part2v_v)

        def red1(i, a):
            return a + partv_v[i]

        tot16 = lax.fori_loop(0, NTILES, red1, zeros16)

        def red2(i, a):
            return a + part2v_v[i]

        tot16 = lax.fori_loop(0, B, red2, tot16)
        total = jnp.sum(tot16)
        outv_v[...] = jnp.full((16,), 1.0, jnp.float32) * total
        pltpu.sync_copy(outv_v, out_hbm)


def _sc_main(trajs_view, fac_view, mag_flat, sum_flat):
    mesh = plsc.VectorSubcoreMesh(
        core_axis_name="c", subcore_axis_name="s", num_cores=1)
    kern = pl.kernel(
        _sc_body,
        out_type=jax.ShapeDtypeStruct((16,), jnp.float32),
        mesh=mesh,
        compiler_params=pltpu.CompilerParams(
            needs_layout_passes=False, use_tc_tiling_on_sc=False),
        scratch_types=[
            pltpu.VMEM((TPT, 128), jnp.float32),
            pltpu.VMEM((TPT, 128), jnp.float32),
            pltpu.VMEM((TPT, 128), jnp.float32),
            pltpu.VMEM((CHUNK,), jnp.int32),
            pltpu.VMEM((ROWS, 16), jnp.float32),
            pltpu.VMEM((ROWS, 16), jnp.float32),
            pltpu.VMEM((ROWS + 1, 16), jnp.int32),
            pltpu.VMEM((NBINS,), jnp.float32),
            pltpu.VMEM((NBINS,), jnp.float32),
            pltpu.VMEM((ROWS, 16), jnp.float32),
            pltpu.VMEM((16,), jnp.int32),
            pltpu.VMEM((NTILES, 16), jnp.float32),
            pltpu.VMEM((B, 16), jnp.float32),
            pltpu.VMEM((16,), jnp.float32),
            pltpu.VMEM((16,), jnp.float32),
            pltpu.VMEM((128,), jnp.int32),
            pltpu.VMEM((128,), jnp.int32),
            pltpu.VMEM((128,), jnp.int32),
            pltpu.VMEM((128,), jnp.int32),
            pltpu.SemaphoreType.DMA,
            pltpu.VMEM_SHARED((ROWS, 16), jnp.float32),
            pltpu.VMEM_SHARED((ROWS, 16), jnp.int32),
            pltpu.VMEM_SHARED((16,), jnp.int32),
            pltpu.VMEM_SHARED((B * ROWS, 16), jnp.float32),
            pltpu.VMEM_SHARED((NTILES, 16), jnp.float32),
            pltpu.VMEM_SHARED((B, 16), jnp.float32),
        ],
    )
    return kern(trajs_view, fac_view, mag_flat, sum_flat)


def kernel(factors, trajs, spl_x, spl_psi_re, spl_psi_im):
    mag, sm = _compute_tables(spl_x, spl_psi_re, spl_psi_im)
    tv = trajs.reshape(B, NT1, 128, 4).transpose(0, 1, 3, 2)
    fv = factors.reshape(B, NT1, 128).transpose(1, 0, 2)
    out = _sc_main(tv, fv, mag.reshape(-1), sm.reshape(-1))
    return jnp.sqrt(out[0])

# --- scband reference (transcript-rebuilt; emitter-appended) ---
"""Pipeline reference for scband-coherent-loss-53343493816816 (READ-ONLY COPY).

The authoritative reference and input builder live on the scoring server;
editing this copy changes nothing except your own understanding.
"""

import jax, jax.numpy as jnp
import numpy as np

GAMMA_F = 1.0
QMIN = -10.0; QMAX = 10.0; QBINS = 64
PMIN = -10.0; PMAX = 10.0; PBINS = 64
B = 4; N = 32768; NX = 128


def _calc_proj(trajs, gamma_f):
    # project trajectories onto final phase-space coordinates (q_f, p_f, action)
    return trajs[..., 0], trajs[..., 1], trajs[..., 2]


def _calc_pref(trajs, gamma_f):
    # semiclassical prefactor: exp(i*S) * amplitude
    return jnp.exp(1j * trajs[..., 2].astype(jnp.complex64)) * trajs[..., 3].astype(jnp.complex64)


def _gf(x, qc, pc, gamma_f):
    # coherent-state frame functions g_{q,p}(x) on grid x for each bin center
    q = qc.reshape(-1, 1).astype(jnp.complex64)
    p = pc.reshape(-1, 1).astype(jnp.complex64)
    dxq = x[None, :].astype(jnp.complex64) - q
    norm = (gamma_f / np.pi) ** 0.25
    return norm * jnp.exp(-0.5 * gamma_f * dxq * dxq + 1j * p * dxq)


def setup_inputs(seed: int = 0):
    key = jax.random.key(seed)
    k1, k2, k3, k4 = jax.random.split(key, 4)
    factors = jax.random.normal(k1, (B, N), dtype=jnp.float32)
    trajs = jax.random.normal(k2, (B, N, 4), dtype=jnp.float32)
    # spl.x : increasing spatial grid (arange-based linspace over [-15, 15])
    spl_x = jnp.arange(NX, dtype=jnp.float32) * (30.0 / (NX - 1)) - 15.0
    # spl.psis[-1][1] : complex wavefunction on the grid (real/imag parts)
    spl_psi_re = jax.random.normal(k3, (NX,), dtype=jnp.float32)
    spl_psi_im = jax.random.normal(k4, (NX,), dtype=jnp.float32)
    return {"factors": factors, "trajs": trajs, "spl_x": spl_x, "spl_psi_re": spl_psi_re, "spl_psi_im": spl_psi_im}


def _bins_and_inds(trajs):
    qf, pf, _ = _calc_proj(trajs, GAMMA_F)
    dq = (QMAX - QMIN) / QBINS
    dp = (PMAX - PMIN) / PBINS
    qb = jnp.floor((qf - QMIN) / dq)
    pb = jnp.floor((pf - PMIN) / dp)
    bins = qb * PBINS + pb
    # torch.unique + dict remap  ==  np.unique(return_inverse=True)
    flat = bins.reshape(-1)
    sorted_vals = jnp.sort(flat)
    is_new = jnp.concatenate([
        jnp.zeros((1,), dtype=jnp.int32),
        (sorted_vals[1:] != sorted_vals[:-1]).astype(jnp.int32),
    ])
    dense_rank = jnp.cumsum(is_new)
    first_pos = jnp.searchsorted(sorted_vals, flat, side="left")
    inds = dense_rank[first_pos].reshape(bins.shape).astype(jnp.int32)
    qc = (qb + 0.5) * dq + QMIN
    pc = (pb + 0.5) * dp + PMIN
    return inds, qc, pc


def _compute_gt(spl_x, spl_psi_re, spl_psi_im, qc, pc):
    gfs = _gf(spl_x, qc, pc, GAMMA_F)  # [B*N, NX]
    psi = (spl_psi_re + 1j * spl_psi_im).astype(jnp.complex64)
    integ = jnp.conj(gfs) * psi[None, :]
    # trapezoid rule along the grid axis (torch.trapz axis=1)
    dx = (spl_x[1:] - spl_x[:-1]).astype(jnp.complex64)
    gt = jnp.sum(0.5 * (integ[:, 1:] + integ[:, :-1]) * dx[None, :], axis=1)
    return gt.reshape(qc.shape)


def _clamped_pref(trajs):
    pref = _calc_pref(trajs, GAMMA_F)
    # faithful to pref.real.nan_to_num_().clamp_(100.0, -100.0): min>max saturates to max (-100)
    pr = jnp.clip(jnp.nan_to_num(jnp.real(pref)), 100.0, -100.0)
    pi_ = jnp.clip(jnp.nan_to_num(jnp.imag(pref)), 100.0, -100.0)
    return pr + 1j * pi_


def reference(factors, trajs, spl_x, spl_psi_re, spl_psi_im):
    inds, qc, pc = _bins_and_inds(trajs)
    gt = _compute_gt(spl_x, spl_psi_re, spl_psi_im, qc, pc)
    pref = _clamped_pref(trajs)
    vals = pref * factors.astype(pref.dtype)
    # torch scatter_add(dim=1, inds, vals) with per-row indices
    row_idx = jnp.broadcast_to(jnp.arange(B)[:, None], (B, N))
    vals_binned = jnp.zeros_like(pref).at[row_idx, inds].add(vals)
    loss = jnp.sum(jnp.abs(vals_binned - gt) ** 2)
    return jnp.sqrt(loss)

if __name__ == "__main__":
    import jax
    _d = setup_inputs()
    print(jax.jit(kernel)(*tuple(_d.values())))

</pallas_src>

<mosaic_0001>
#map = affine_map<(d0, d1) -> (0, 0, 0, 0)>
#map1 = affine_map<(d0, d1) -> (0, 0, 0)>
#map2 = affine_map<(d0, d1) -> (0)>
module attributes {stable_mosaic.version = 14 : i64} {
  func.func @_sc_body(%arg0: i32, %arg1: i32, %arg2: memref<4x256x4x128xf32, #tpu.memory_space<hbm>>, %arg3: memref<256x4x128xf32, #tpu.memory_space<hbm>>, %arg4: memref<4096xf32, #tpu.memory_space<hbm>>, %arg5: memref<4096xf32, #tpu.memory_space<hbm>>, %arg6: memref<16xf32, #tpu.memory_space<hbm>>, %arg7: memref<64x128xf32, #tpu.memory_space<vmem>>, %arg8: memref<64x128xf32, #tpu.memory_space<vmem>>, %arg9: memref<64x128xf32, #tpu.memory_space<vmem>>, %arg10: memref<8192xi32, #tpu.memory_space<vmem>>, %arg11: memref<256x16xf32, #tpu.memory_space<vmem>>, %arg12: memref<256x16xf32, #tpu.memory_space<vmem>>, %arg13: memref<257x16xi32, #tpu.memory_space<vmem>>, %arg14: memref<4096xf32, #tpu.memory_space<vmem>>, %arg15: memref<4096xf32, #tpu.memory_space<vmem>>, %arg16: memref<256x16xf32, #tpu.memory_space<vmem>>, %arg17: memref<16xi32, #tpu.memory_space<vmem>>, %arg18: memref<16x16xf32, #tpu.memory_space<vmem>>, %arg19: memref<4x16xf32, #tpu.memory_space<vmem>>, %arg20: memref<16xf32, #tpu.memory_space<vmem>>, %arg21: memref<16xf32, #tpu.memory_space<vmem>>, %arg22: memref<128xi32, #tpu.memory_space<vmem>>, %arg23: memref<128xi32, #tpu.memory_space<vmem>>, %arg24: memref<128xi32, #tpu.memory_space<vmem>>, %arg25: memref<128xi32, #tpu.memory_space<vmem>>, %arg26: memref<!tpu.dma_semaphore, #tpu.memory_space<semaphore_mem>>, %arg27: memref<256x16xf32, #tpu.memory_space<vmem_shared>>, %arg28: memref<256x16xi32, #tpu.memory_space<vmem_shared>>, %arg29: memref<16xi32, #tpu.memory_space<vmem_shared>>, %arg30: memref<1024x16xf32, #tpu.memory_space<vmem_shared>>, %arg31: memref<16x16xf32, #tpu.memory_space<vmem_shared>>, %arg32: memref<4x16xf32, #tpu.memory_space<vmem_shared>>) attributes {dimension_semantics = [#tpu.dimension_semantics<core_parallel>, #tpu.dimension_semantics<subcore_parallel>], iteration_bounds = array<i64: 1, 16>, scalar_prefetch = 0 : i64, scratch_operands = 26 : i64, tpu.core_type = #tpu.core_type<sc_vector_subcore>, window_params = [{transform_indices = #map}, {transform_indices = #map1}, {transform_indices = #map2}, {transform_indices = #map2}, {transform_indices = #map2}]} {
    %jit3A = arith.constant 4 : i32
    %div3A = arith.divsi %arg1, %jit3A : i32
    %sign3A = arith.constant 0 : i32
    %sign3A_0 = arith.cmpi sgt, %arg1, %sign3A : i32
    %sign3A_1 = arith.extui %sign3A_0 : i1 to i32
    %sign3A_2 = arith.constant 0 : i32
    %sign3A_3 = arith.cmpi slt, %arg1, %sign3A_2 : i32
    %sign3A_4 = arith.extui %sign3A_3 : i1 to i32
    %sign3A_5 = arith.subi %sign3A_1, %sign3A_4 : i32
    %sign3A_6 = arith.constant 0 : i32
    %sign3A_7 = arith.cmpi sgt, %jit3A, %sign3A_6 : i32
    %sign3A_8 = arith.extui %sign3A_7 : i1 to i32
    %sign3A_9 = arith.constant 0 : i32
    %sign3A_10 = arith.cmpi slt, %jit3A, %sign3A_9 : i32
    %sign3A_11 = arith.extui %sign3A_10 : i1 to i32
    %sign3A_12 = arith.subi %sign3A_8, %sign3A_11 : i32
    %ne3A = arith.cmpi ne, %sign3A_5, %sign3A_12 : i32
    %rem3A = arith.remsi %arg1, %jit3A : i32
    %ne3A_13 = arith.constant 0 : i32
    %ne3A_14 = arith.cmpi ne, %rem3A, %ne3A_13 : i32
    %and3A = arith.andi %ne3A, %ne3A_14 : i1
    %sub3A = arith.constant 1 : i32
    %sub3A_15 = arith.subi %div3A, %sub3A : i32
    %select_n3A = arith.select %and3A, %sub3A_15, %div3A : i32
    %mul3A = arith.constant 256 : i32
    %mul3A_16 = arith.muli %select_n3A, %mul3A : i32
    %jit3A_17 = arith.constant 4 : i32
    %eq3A = arith.constant 0 : i32
    %eq3A_18 = arith.cmpi eq, %jit3A_17, %eq3A : i32
    %jit3A_19 = arith.constant 1 : i32
    %select_n3A_20 = arith.select %eq3A_18, %jit3A_19, %jit3A_17 : i32
    %rem3A_21 = arith.remsi %arg1, %select_n3A_20 : i32
    %ne3A_22 = arith.constant 0 : i32
    %ne3A_23 = arith.cmpi ne, %rem3A_21, %ne3A_22 : i32
    %lt3A = arith.constant 0 : i32
    %lt3A_24 = arith.cmpi slt, %rem3A_21, %lt3A : i32
    %lt3A_25 = arith.constant 0 : i32
    %lt3A_26 = arith.cmpi slt, %select_n3A_20, %lt3A_25 : i32
    %ne3A_27 = arith.xori %lt3A_24, %lt3A_26 : i1
    %and3A_28 = arith.andi %ne3A_27, %ne3A_23 : i1
    %add3A = arith.addi %rem3A_21, %select_n3A_20 : i32
    %select_n3A_29 = arith.select %and3A_28, %add3A, %rem3A_21 : i32
    %mul3A_30 = arith.constant 64 : i32
    %mul3A_31 = arith.muli %select_n3A_29, %mul3A_30 : i32
    %dma_start3A = arith.constant 0 : i32
    %dma_start3A_32 = arith.constant 0 : i32
    %dma_start3A_33 = tpu.memref_slice %arg2[%select_n3A, %mul3A_31, %dma_start3A, %dma_start3A_32] : memref<4x256x4x128xf32, #tpu.memory_space<hbm>> -> memref<1x64x1x128xf32, #tpu.memory_space<hbm>>
    %dma_start3A_34 = tpu.memref_squeeze %dma_start3A_33 : memref<1x64x1x128xf32, #tpu.memory_space<hbm>> -> memref<64x128xf32, #tpu.memory_space<hbm>>
    %dma_start3A_35 = arith.constant 0 : i32
    %dma_start3A_36 = tpu.memref_slice %arg2[%select_n3A, %mul3A_31, %dma_start3A, %dma_start3A_35] : memref<4x256x4x128xf32, #tpu.memory_space<hbm>> -> memref<1x64x1x128xf32, #tpu.memory_space<hbm>>
    %dma_start3A_37 = tpu.memref_squeeze %dma_start3A_36 : memref<1x64x1x128xf32, #tpu.memory_space<hbm>> -> memref<64x128xf32, #tpu.memory_space<hbm>>
    tpu.enqueue_dma source(%dma_start3A_37 : memref<64x128xf32, #tpu.memory_space<hbm>>) target(%arg7 : memref<64x128xf32, #tpu.memory_space<vmem>>) target_semaphore(%arg26 : memref<!tpu.dma_semaphore, #tpu.memory_space<semaphore_mem>>)
    %dma_start3A_38 = arith.constant 1 : i32
    %dma_start3A_39 = arith.constant 0 : i32
    %dma_start3A_40 = tpu.memref_slice %arg2[%select_n3A, %mul3A_31, %dma_start3A_38, %dma_start3A_39] : memref<4x256x4x128xf32, #tpu.memory_space<hbm>> -> memref<1x64x1x128xf32, #tpu.memory_space<hbm>>
    %dma_start3A_41 = tpu.memref_squeeze %dma_start3A_40 : memref<1x64x1x128xf32, #tpu.memory_space<hbm>> -> memref<64x128xf32, #tpu.memory_space<hbm>>
    %dma_start3A_42 = arith.constant 0 : i32
    %dma_start3A_43 = tpu.memref_slice %arg2[%select_n3A, %mul3A_31, %dma_start3A_38, %dma_start3A_42] : memref<4x256x4x128xf32, #tpu.memory_space<hbm>> -> memref<1x64x1x128xf32, #tpu.memory_space<hbm>>
    %dma_start3A_44 = tpu.memref_squeeze %dma_start3A_43 : memref<1x64x1x128xf32, #tpu.memory_space<hbm>> -> memref<64x128xf32, #tpu.memory_space<hbm>>
    tpu.enqueue_dma source(%dma_start3A_44 : memref<64x128xf32, #tpu.memory_space<hbm>>) target(%arg8 : memref<64x128xf32, #tpu.memory_space<vmem>>) target_semaphore(%arg26 : memref<!tpu.dma_semaphore, #tpu.memory_space<semaphore_mem>>)
    %dma_start3A_45 = arith.constant 0 : i32
    %dma_start3A_46 = tpu.memref_slice %arg3[%mul3A_31, %select_n3A, %dma_start3A_45] : memref<256x4x128xf32, #tpu.memory_space<hbm>> -> memref<64x1x128xf32, #tpu.memory_space<hbm>>
    %dma_start3A_47 = tpu.memref_squeeze %dma_start3A_46 : memref<64x1x128xf32, #tpu.memory_space<hbm>> -> memref<64x128xf32, #tpu.memory_space<hbm>>
    %dma_start3A_48 = arith.constant 0 : i32
    %dma_start3A_49 = tpu.memref_slice %arg3[%mul3A_31, %select_n3A, %dma_start3A_48] : memref<256x4x128xf32, #tpu.memory_space<hbm>> -> memref<64x1x128xf32, #tpu.memory_space<hbm>>
    %dma_start3A_50 = tpu.memref_squeeze %dma_start3A_49 : memref<64x1x128xf32, #tpu.memory_space<hbm>> -> memref<64x128xf32, #tpu.memory_space<hbm>>
    tpu.enqueue_dma source(%dma_start3A_50 : memref<64x128xf32, #tpu.memory_space<hbm>>) target(%arg9 : memref<64x128xf32, #tpu.memory_space<vmem>>) target_semaphore(%arg26 : memref<!tpu.dma_semaphore, #tpu.memory_space<semaphore_mem>>)
    tpu.enqueue_dma source(%arg4 : memref<4096xf32, #tpu.memory_space<hbm>>) target(%arg14 : memref<4096xf32, #tpu.memory_space<vmem>>) target_semaphore(%arg26 : memref<!tpu.dma_semaphore, #tpu.memory_space<semaphore_mem>>)
    tpu.enqueue_dma source(%arg5 : memref<4096xf32, #tpu.memory_space<hbm>>) target(%arg15 : memref<4096xf32, #tpu.memory_space<vmem>>) target_semaphore(%arg26 : memref<!tpu.dma_semaphore, #tpu.memory_space<semaphore_mem>>)
    %broadcast_in_dim3A = arith.constant 0.000000e+00 : f32
    %broadcast_in_dim3A_51 = vector.broadcast %broadcast_in_dim3A : f32 to vector<16xf32>
    %iota3A = tpu.iota {dimensions = array<i32: 0>} : vector<16xi32>
    %scan3A = arith.constant 0 : i32
    %scan3A_52 = arith.constant 0 : i32
    %scan3A_53 = arith.constant 256 : i32
    %scan3A_54 = arith.addi %scan3A_52, %scan3A_53 : i32
    %scan3A_55 = arith.constant 1 : i32
    %scan3A_56 = scf.for %scan3A_127 = %scan3A_52 to %scan3A_54 step %scan3A_55 iter_args(%scan3A_128 = %scan3A) -> (i32)  : i32 {
      %swap3A_129 = arith.index_cast %scan3A_127 : i32 to index
      %swap3A_130 = arith.constant 0 : index
      %swap3A_131 = tpu.vector_load %arg11[%swap3A_129, %swap3A_130] {strides = array<i32>} : memref<256x16xf32, #tpu.memory_space<vmem>>, vector<16xf32>,
      tpu.vector_store %arg11[%swap3A_129, %swap3A_130], %broadcast_in_dim3A_51 {strides = array<i32>} : memref<256x16xf32, #tpu.memory_space<vmem>>, vector<16xf32>,
      %swap3A_132 = arith.index_cast %scan3A_127 : i32 to index
      %swap3A_133 = arith.constant 0 : index
      %swap3A_134 = tpu.vector_load %arg12[%swap3A_132, %swap3A_133] {strides = array<i32>} : memref<256x16xf32, #tpu.memory_space<vmem>>, vector<16xf32>,
      tpu.vector_store %arg12[%swap3A_132, %swap3A_133], %broadcast_in_dim3A_51 {strides = array<i32>} : memref<256x16xf32, #tpu.memory_space<vmem>>, vector<16xf32>,
      %scan3A_135 = arith.constant 0 : i32
      scf.yield %scan3A_135 : i32
    }
    %scan3A_57 = arith.constant 256 : i32
    %scan3A_58 = arith.constant 0 : i32
    %scan3A_59 = arith.constant 0 : i32
    %scan3A_60 = arith.constant 8 : i32
    %scan3A_61 = arith.addi %scan3A_59, %scan3A_60 : i32
    %scan3A_62 = arith.constant 1 : i32
    %scan3A_63 = scf.for %scan3A_127 = %scan3A_59 to %scan3A_61 step %scan3A_62 iter_args(%scan3A_128 = %scan3A_58) -> (i32)  : i32 {
      %mul3A_129 = arith.constant 16 : i32
      %mul3A_130 = arith.muli %scan3A_127, %mul3A_129 : i32
      %add3A_131 = vector.broadcast %mul3A_130 : i32 to vector<16xi32>
      %add3A_132 = arith.addi %iota3A, %add3A_131 : vector<16xi32>
      %mul3A_133 = arith.constant 16 : i32
      %mul3A_134 = arith.muli %scan3A_127, %mul3A_133 : i32
      %swap3A_135 = arith.index_cast %mul3A_134 : i32 to index
      %swap3A_136 = tpu.vector_load %arg22[%swap3A_135] {strides = array<i32>} : memref<128xi32, #tpu.memory_space<vmem>>, vector<16xi32>,
      tpu.vector_store %arg22[%swap3A_135], %add3A_132 {strides = array<i32>} : memref<128xi32, #tpu.memory_space<vmem>>, vector<16xi32>,
      %add3A_137 = arith.constant 128 : i32
      %add3A_138 = vector.broadcast %add3A_137 : i32 to vector<16xi32>
      %add3A_139 = arith.addi %add3A_132, %add3A_138 : vector<16xi32>
      %mul3A_140 = arith.constant 16 : i32
      %mul3A_141 = arith.muli %scan3A_127, %mul3A_140 : i32
      %swap3A_142 = arith.index_cast %mul3A_141 : i32 to index
      %swap3A_143 = tpu.vector_load %arg23[%swap3A_142] {strides = array<i32>} : memref<128xi32, #tpu.memory_space<vmem>>, vector<16xi32>,
      tpu.vector_store %arg23[%swap3A_142], %add3A_139 {strides = array<i32>} : memref<128xi32, #tpu.memory_space<vmem>>, vector<16xi32>,
      %add3A_144 = vector.broadcast %mul3A_16 : i32 to vector<16xi32>
      %add3A_145 = arith.addi %add3A_132, %add3A_144 : vector<16xi32>
      %mul3A_146 = arith.constant 16 : i32
      %mul3A_147 = arith.muli %scan3A_127, %mul3A_146 : i32
      %swap3A_148 = arith.index_cast %mul3A_147 : i32 to index
      %swap3A_149 = tpu.vector_load %arg24[%swap3A_148] {strides = array<i32>} : memref<128xi32, #tpu.memory_space<vmem>>, vector<16xi32>,
      tpu.vector_store %arg24[%swap3A_148], %add3A_145 {strides = array<i32>} : memref<128xi32, #tpu.memory_space<vmem>>, vector<16xi32>,
      %add3A_150 = arith.constant 128 : i32
      %add3A_151 = vector.broadcast %add3A_150 : i32 to vector<16xi32>
      %add3A_152 = arith.addi %add3A_132, %add3A_151 : vector<16xi32>
      %add3A_153 = vector.broadcast %mul3A_16 : i32 to vector<16xi32>
      %add3A_154 = arith.addi %add3A_152, %add3A_153 : vector<16xi32>
      %mul3A_155 = arith.constant 16 : i32
      %mul3A_156 = arith.muli %scan3A_127, %mul3A_155 : i32
      %swap3A_157 = arith.index_cast %mul3A_156 : i32 to index
      %swap3A_158 = tpu.vector_load %arg25[%swap3A_157] {strides = array<i32>} : memref<128xi32, #tpu.memory_space<vmem>>, vector<16xi32>,
      tpu.vector_store %arg25[%swap3A_157], %add3A_154 {strides = array<i32>} : memref<128xi32, #tpu.memory_space<vmem>>, vector<16xi32>,
      %scan3A_159 = arith.constant 0 : i32
      scf.yield %scan3A_159 : i32
    }
    %scan3A_64 = arith.constant 8 : i32
    %eq3A_65 = arith.constant 0 : i32
    %eq3A_66 = arith.cmpi eq, %arg1, %eq3A_65 : i32
    %convert_element_type3A = arith.extui %eq3A_66 : i1 to i32
    %cond3A = arith.constant 0 : i32
    %cond3A_67 = arith.cmpi ne, %convert_element_type3A, %cond3A : i32
    scf.if %cond3A_67 {
      "tpu.region"() ({
        %run_scoped3A = tpu.sem_alloc : memref<!tpu.dma_semaphore, #tpu.memory_space<semaphore_mem>>
        tpu.enqueue_dma source(%arg11 : memref<256x16xf32, #tpu.memory_space<vmem>>) target(%arg27 : memref<256x16xf32, #tpu.memory_space<vmem_shared>>) target_semaphore(%run_scoped3A : memref<!tpu.dma_semaphore, #tpu.memory_space<semaphore_mem>>)
        tpu.wait_dma2 semaphore(%run_scoped3A : memref<!tpu.dma_semaphore, #tpu.memory_space<semaphore_mem>>) src(%arg11 : memref<256x16xf32, #tpu.memory_space<vmem>>) dst(%arg27 : memref<256x16xf32, #tpu.memory_space<vmem_shared>>)
        tpu.yield
      }) : () -> ()
      "tpu.region"() ({
        %run_scoped3A = tpu.sem_alloc : memref<!tpu.dma_semaphore, #tpu.memory_space<semaphore_mem>>
        %dma_start3A_127 = arith.constant 0 : i32
        %dma_start3A_128 = arith.constant 0 : i32
        %dma_start3A_129 = tpu.memref_slice %arg30[%dma_start3A_127, %dma_start3A_128] : memref<1024x16xf32, #tpu.memory_space<vmem_shared>> -> memref<256x16xf32, #tpu.memory_space<vmem_shared>>
        %dma_start3A_130 = arith.constant 0 : i32
        %dma_start3A_131 = arith.constant 0 : i32
        %dma_start3A_132 = tpu.memref_slice %arg30[%dma_start3A_130, %dma_start3A_131] : memref<1024x16xf32, #tpu.memory_space<vmem_shared>> -> memref<256x16xf32, #tpu.memory_space<vmem_shared>>
        tpu.enqueue_dma source(%arg12 : memref<256x16xf32, #tpu.memory_space<vmem>>) target(%dma_start3A_132 : memref<256x16xf32, #tpu.memory_space<vmem_shared>>) target_semaphore(%run_scoped3A : memref<!tpu.dma_semaphore, #tpu.memory_space<semaphore_mem>>)
        %dma_wait3A_133 = arith.constant 0 : i32
        %dma_wait3A_134 = arith.constant 0 : i32
        %dma_wait3A_135 = tpu.memref_slice %arg30[%dma_wait3A_133, %dma_wait3A_134] : memref<1024x16xf32, #tpu.memory_space<vmem_shared>> -> memref<256x16xf32, #tpu.memory_space<vmem_shared>>
        %dma_wait3A_136 = arith.constant 0 : i32
        %dma_wait3A_137 = arith.constant 0 : i32
        %dma_wait3A_138 = tpu.memref_slice %arg30[%dma_wait3A_136, %dma_wait3A_137] : memref<1024x16xf32, #tpu.memory_space<vmem_shared>> -> memref<256x16xf32, #tpu.memory_space<vmem_shared>>
        tpu.wait_dma2 semaphore(%run_scoped3A : memref<!tpu.dma_semaphore, #tpu.memory_space<semaphore_mem>>) src(%arg12 : memref<256x16xf32, #tpu.memory_space<vmem>>) dst(%dma_wait3A_138 : memref<256x16xf32, #tpu.memory_space<vmem_shared>>)
        tpu.yield
      }) : () -> ()
      "tpu.region"() ({
        %run_scoped3A = tpu.sem_alloc : memref<!tpu.dma_semaphore, #tpu.memory_space<semaphore_mem>>
        %dma_start3A_127 = arith.constant 256 : i32
        %dma_start3A_128 = arith.constant 0 : i32
        %dma_start3A_129 = tpu.memref_slice %arg30[%dma_start3A_127, %dma_start3A_128] : memref<1024x16xf32, #tpu.memory_space<vmem_shared>> -> memref<256x16xf32, #tpu.memory_space<vmem_shared>>
        %dma_start3A_130 = arith.constant 256 : i32
        %dma_start3A_131 = arith.constant 0 : i32
        %dma_start3A_132 = tpu.memref_slice %arg30[%dma_start3A_130, %dma_start3A_131] : memref<1024x16xf32, #tpu.memory_space<vmem_shared>> -> memref<256x16xf32, #tpu.memory_space<vmem_shared>>
        tpu.enqueue_dma source(%arg12 : memref<256x16xf32, #tpu.memory_space<vmem>>) target(%dma_start3A_132 : memref<256x16xf32, #tpu.memory_space<vmem_shared>>) target_semaphore(%run_scoped3A : memref<!tpu.dma_semaphore, #tpu.memory_space<semaphore_mem>>)
        %dma_wait3A_133 = arith.constant 256 : i32
        %dma_wait3A_134 = arith.constant 0 : i32
        %dma_wait3A_135 = tpu.memref_slice %arg30[%dma_wait3A_133, %dma_wait3A_134] : memref<1024x16xf32, #tpu.memory_space<vmem_shared>> -> memref<256x16xf32, #tpu.memory_space<vmem_shared>>
        %dma_wait3A_136 = arith.constant 256 : i32
        %dma_wait3A_137 = arith.constant 0 : i32
        %dma_wait3A_138 = tpu.memref_slice %arg30[%dma_wait3A_136, %dma_wait3A_137] : memref<1024x16xf32, #tpu.memory_space<vmem_shared>> -> memref<256x16xf32, #tpu.memory_space<vmem_shared>>
        tpu.wait_dma2 semaphore(%run_scoped3A : memref<!tpu.dma_semaphore, #tpu.memory_space<semaphore_mem>>) src(%arg12 : memref<256x16xf32, #tpu.memory_space<vmem>>) dst(%dma_wait3A_138 : memref<256x16xf32, #tpu.memory_space<vmem_shared>>)
        tpu.yield
      }) : () -> ()
      "tpu.region"() ({
        %run_scoped3A = tpu.sem_alloc : memref<!tpu.dma_semaphore, #tpu.memory_space<semaphore_mem>>
        %dma_start3A_127 = arith.constant 512 : i32
        %dma_start3A_128 = arith.constant 0 : i32
        %dma_start3A_129 = tpu.memref_slice %arg30[%dma_start3A_127, %dma_start3A_128] : memref<1024x16xf32, #tpu.memory_space<vmem_shared>> -> memref<256x16xf32, #tpu.memory_space<vmem_shared>>
        %dma_start3A_130 = arith.constant 512 : i32
        %dma_start3A_131 = arith.constant 0 : i32
        %dma_start3A_132 = tpu.memref_slice %arg30[%dma_start3A_130, %dma_start3A_131] : memref<1024x16xf32, #tpu.memory_space<vmem_shared>> -> memref<256x16xf32, #tpu.memory_space<vmem_shared>>
        tpu.enqueue_dma source(%arg12 : memref<256x16xf32, #tpu.memory_space<vmem>>) target(%dma_start3A_132 : memref<256x16xf32, #tpu.memory_space<vmem_shared>>) target_semaphore(%run_scoped3A : memref<!tpu.dma_semaphore, #tpu.memory_space<semaphore_mem>>)
        %dma_wait3A_133 = arith.constant 512 : i32
        %dma_wait3A_134 = arith.constant 0 : i32
        %dma_wait3A_135 = tpu.memref_slice %arg30[%dma_wait3A_133, %dma_wait3A_134] : memref<1024x16xf32, #tpu.memory_space<vmem_shared>> -> memref<256x16xf32, #tpu.memory_space<vmem_shared>>
        %dma_wait3A_136 = arith.constant 512 : i32
        %dma_wait3A_137 = arith.constant 0 : i32
        %dma_wait3A_138 = tpu.memref_slice %arg30[%dma_wait3A_136, %dma_wait3A_137] : memref<1024x16xf32, #tpu.memory_space<vmem_shared>> -> memref<256x16xf32, #tpu.memory_space<vmem_shared>>
        tpu.wait_dma2 semaphore(%run_scoped3A : memref<!tpu.dma_semaphore, #tpu.memory_space<semaphore_mem>>) src(%arg12 : memref<256x16xf32, #tpu.memory_space<vmem>>) dst(%dma_wait3A_138 : memref<256x16xf32, #tpu.memory_space<vmem_shared>>)
        tpu.yield
      }) : () -> ()
      "tpu.region"() ({
        %run_scoped3A = tpu.sem_alloc : memref<!tpu.dma_semaphore, #tpu.memory_space<semaphore_mem>>
        %dma_start3A_127 = arith.constant 768 : i32
        %dma_start3A_128 = arith.constant 0 : i32
        %dma_start3A_129 = tpu.memref_slice %arg30[%dma_start3A_127, %dma_start3A_128] : memref<1024x16xf32, #tpu.memory_space<vmem_shared>> -> memref<256x16xf32, #tpu.memory_space<vmem_shared>>
        %dma_start3A_130 = arith.constant 768 : i32
        %dma_start3A_131 = arith.constant 0 : i32
        %dma_start3A_132 = tpu.memref_slice %arg30[%dma_start3A_130, %dma_start3A_131] : memref<1024x16xf32, #tpu.memory_space<vmem_shared>> -> memref<256x16xf32, #tpu.memory_space<vmem_shared>>
        tpu.enqueue_dma source(%arg12 : memref<256x16xf32, #tpu.memory_space<vmem>>) target(%dma_start3A_132 : memref<256x16xf32, #tpu.memory_space<vmem_shared>>) target_semaphore(%run_scoped3A : memref<!tpu.dma_semaphore, #tpu.memory_space<semaphore_mem>>)
        %dma_wait3A_133 = arith.constant 768 : i32
        %dma_wait3A_134 = arith.constant 0 : i32
        %dma_wait3A_135 = tpu.memref_slice %arg30[%dma_wait3A_133, %dma_wait3A_134] : memref<1024x16xf32, #tpu.memory_space<vmem_shared>> -> memref<256x16xf32, #tpu.memory_space<vmem_shared>>
        %dma_wait3A_136 = arith.constant 768 : i32
        %dma_wait3A_137 = arith.constant 0 : i32
        %dma_wait3A_138 = tpu.memref_slice %arg30[%dma_wait3A_136, %dma_wait3A_137] : memref<1024x16xf32, #tpu.memory_space<vmem_shared>> -> memref<256x16xf32, #tpu.memory_space<vmem_shared>>
        tpu.wait_dma2 semaphore(%run_scoped3A : memref<!tpu.dma_semaphore, #tpu.memory_space<semaphore_mem>>) src(%arg12 : memref<256x16xf32, #tpu.memory_space<vmem>>) dst(%dma_wait3A_138 : memref<256x16xf32, #tpu.memory_space<vmem_shared>>)
        tpu.yield
      }) : () -> ()
    } else {
    }
    %dma_wait3A = arith.constant 0 : i32
    %dma_wait3A_68 = arith.constant 0 : i32
    %dma_wait3A_69 = tpu.memref_slice %arg2[%select_n3A, %mul3A_31, %dma_wait3A, %dma_wait3A_68] : memref<4x256x4x128xf32, #tpu.memory_space<hbm>> -> memref<1x64x1x128xf32, #tpu.memory_space<hbm>>
    %dma_wait3A_70 = tpu.memref_squeeze %dma_wait3A_69 : memref<1x64x1x128xf32, #tpu.memory_space<hbm>> -> memref<64x128xf32, #tpu.memory_space<hbm>>
    %dma_wait3A_71 = arith.constant 0 : i32
    %dma_wait3A_72 = tpu.memref_slice %arg2[%select_n3A, %mul3A_31, %dma_wait3A, %dma_wait3A_71] : memref<4x256x4x128xf32, #tpu.memory_space<hbm>> -> memref<1x64x1x128xf32, #tpu.memory_space<hbm>>
    %dma_wait3A_73 = tpu.memref_squeeze %dma_wait3A_72 : memref<1x64x1x128xf32, #tpu.memory_space<hbm>> -> memref<64x128xf32, #tpu.memory_space<hbm>>
    tpu.wait_dma2 semaphore(%arg26 : memref<!tpu.dma_semaphore, #tpu.memory_space<semaphore_mem>>) src(%dma_wait3A_73 : memref<64x128xf32, #tpu.memory_space<hbm>>) dst(%arg7 : memref<64x128xf32, #tpu.memory_space<vmem>>)
    %dma_wait3A_74 = arith.constant 1 : i32
    %dma_wait3A_75 = arith.constant 0 : i32
    %dma_wait3A_76 = tpu.memref_slice %arg2[%select_n3A, %mul3A_31, %dma_wait3A_74, %dma_wait3A_75] : memref<4x256x4x128xf32, #tpu.memory_space<hbm>> -> memref<1x64x1x128xf32, #tpu.memory_space<hbm>>
    %dma_wait3A_77 = tpu.memref_squeeze %dma_wait3A_76 : memref<1x64x1x128xf32, #tpu.memory_space<hbm>> -> memref<64x128xf32, #tpu.memory_space<hbm>>
    %dma_wait3A_78 = arith.constant 0 : i32
    %dma_wait3A_79 = tpu.memref_slice %arg2[%select_n3A, %mul3A_31, %dma_wait3A_74, %dma_wait3A_78] : memref<4x256x4x128xf32, #tpu.memory_space<hbm>> -> memref<1x64x1x128xf32, #tpu.memory_space<hbm>>
    %dma_wait3A_80 = tpu.memref_squeeze %dma_wait3A_79 : memref<1x64x1x128xf32, #tpu.memory_space<hbm>> -> memref<64x128xf32, #tpu.memory_space<hbm>>
    tpu.wait_dma2 semaphore(%arg26 : memref<!tpu.dma_semaphore, #tpu.memory_space<semaphore_mem>>) src(%dma_wait3A_80 : memref<64x128xf32, #tpu.memory_space<hbm>>) dst(%arg8 : memref<64x128xf32, #tpu.memory_space<vmem>>)
    %dma_wait3A_81 = arith.constant 0 : i32
    %dma_wait3A_82 = tpu.memref_slice %arg3[%mul3A_31, %select_n3A, %dma_wait3A_81] : memref<256x4x128xf32, #tpu.memory_space<hbm>> -> memref<64x1x128xf32, #tpu.memory_space<hbm>>
    %dma_wait3A_83 = tpu.memref_squeeze %dma_wait3A_82 : memref<64x1x128xf32, #tpu.memory_space<hbm>> -> memref<64x128xf32, #tpu.memory_space<hbm>>
    %dma_wait3A_84 = arith.constant 0 : i32
    %dma_wait3A_85 = tpu.memref_slice %arg3[%mul3A_31, %select_n3A, %dma_wait3A_84] : memref<256x4x128xf32, #tpu.memory_space<hbm>> -> memref<64x1x128xf32, #tpu.memory_space<hbm>>
    %dma_wait3A_86 = tpu.memref_squeeze %dma_wait3A_85 : memref<64x1x128xf32, #tpu.memory_space<hbm>> -> memref<64x128xf32, #tpu.memory_space<hbm>>
    tpu.wait_dma2 semaphore(%arg26 : memref<!tpu.dma_semaphore, #tpu.memory_space<semaphore_mem>>) src(%dma_wait3A_86 : memref<64x128xf32, #tpu.memory_space<hbm>>) dst(%arg9 : memref<64x128xf32, #tpu.memory_space<vmem>>)
    tpu.wait_dma2 semaphore(%arg26 : memref<!tpu.dma_semaphore, #tpu.memory_space<semaphore_mem>>) src(%arg4 : memref<4096xf32, #tpu.memory_space<hbm>>) dst(%arg14 : memref<4096xf32, #tpu.memory_space<vmem>>)
    tpu.wait_dma2 semaphore(%arg26 : memref<!tpu.dma_semaphore, #tpu.memory_space<semaphore_mem>>) src(%arg5 : memref<4096xf32, #tpu.memory_space<hbm>>) dst(%arg15 : memref<4096xf32, #tpu.memory_space<vmem>>)
    %barrier3A = arith.constant 0 : index
    tpu.barrier barrier_id(%barrier3A)
    %broadcast_in_dim3A_87 = arith.constant 1.000000e+00 : f32
    %broadcast_in_dim3A_88 = vector.broadcast %broadcast_in_dim3A_87 : f32 to vector<16xf32>
    %parallel_loop3A = arith.constant 0 : i32
    %parallel_loop3A_89 = arith.constant 512 : i32
    %parallel_loop3A_90 = arith.constant 1 : i32
    %parallel_loop3A_91 = scf.for %parallel_loop3A_127 = %parallel_loop3A to %parallel_loop3A_89 step %parallel_loop3A_90 iter_args(%parallel_loop3A_128 = %broadcast_in_dim3A_51) -> (vector<16xf32>)  : i32 {
      %parallel_loop3A_129 = arith.constant 3 : i32
      %parallel_loop3A_130 = arith.shrsi %parallel_loop3A_127, %parallel_loop3A_129 : i32
      %parallel_loop3A_131 = arith.constant 7 : i32
      %parallel_loop3A_132 = arith.andi %parallel_loop3A_127, %parallel_loop3A_131 : i32
      %parallel_loop3A_133 = arith.constant 16 : i32
      %parallel_loop3A_134 = arith.muli %parallel_loop3A_132, %parallel_loop3A_133 : i32
      %parallel_loop3A_135 = arith.index_cast %parallel_loop3A_130 : i32 to index
      %parallel_loop3A_136 = arith.index_cast %parallel_loop3A_134 : i32 to index
      %parallel_loop3A_137 = tpu.vector_load %arg7[%parallel_loop3A_135, %parallel_loop3A_136] {strides = array<i32>} : memref<64x128xf32, #tpu.memory_space<vmem>>, vector<16xf32>,
      %parallel_loop3A_138 = arith.index_cast %parallel_loop3A_130 : i32 to index
      %parallel_loop3A_139 = arith.index_cast %parallel_loop3A_134 : i32 to index
      %parallel_loop3A_140 = tpu.vector_load %arg8[%parallel_loop3A_138, %parallel_loop3A_139] {strides = array<i32>} : memref<64x128xf32, #tpu.memory_space<vmem>>, vector<16xf32>,
      %parallel_loop3A_141 = arith.index_cast %parallel_loop3A_130 : i32 to index
      %parallel_loop3A_142 = arith.index_cast %parallel_loop3A_134 : i32 to index
      %parallel_loop3A_143 = tpu.vector_load %arg9[%parallel_loop3A_141, %parallel_loop3A_142] {strides = array<i32>} : memref<64x128xf32, #tpu.memory_space<vmem>>, vector<16xf32>,
      %parallel_loop3A_144 = arith.constant 3.200000e+00 : f32
      %parallel_loop3A_145 = vector.broadcast %parallel_loop3A_144 : f32 to vector<16xf32>
      %parallel_loop3A_146 = arith.mulf %parallel_loop3A_137, %parallel_loop3A_145 : vector<16xf32>
      %parallel_loop3A_147 = arith.constant 3.200000e+01 : f32
      %parallel_loop3A_148 = vector.broadcast %parallel_loop3A_147 : f32 to vector<16xf32>
      %parallel_loop3A_149 = arith.addf %parallel_loop3A_146, %parallel_loop3A_148 : vector<16xf32>
      %parallel_loop3A_150 = arith.fptosi %parallel_loop3A_149 : vector<16xf32> to vector<16xi32>
      %parallel_loop3A_151 = arith.constant 3.200000e+00 : f32
      %parallel_loop3A_152 = vector.broadcast %parallel_loop3A_151 : f32 to vector<16xf32>
      %parallel_loop3A_153 = arith.mulf %parallel_loop3A_140, %parallel_loop3A_152 : vector<16xf32>
      %parallel_loop3A_154 = arith.constant 3.200000e+01 : f32
      %parallel_loop3A_155 = vector.broadcast %parallel_loop3A_154 : f32 to vector<16xf32>
      %parallel_loop3A_156 = arith.addf %parallel_loop3A_153, %parallel_loop3A_155 : vector<16xf32>
      %parallel_loop3A_157 = arith.fptosi %parallel_loop3A_156 : vector<16xf32> to vector<16xi32>
      %parallel_loop3A_158 = arith.constant 0 : i32
      %parallel_loop3A_159 = arith.constant 63 : i32
      %parallel_loop3A_160 = vector.broadcast %parallel_loop3A_158 : i32 to vector<16xi32>
      %parallel_loop3A_161 = arith.maxsi %parallel_loop3A_160, %parallel_loop3A_150 : vector<16xi32>
      %parallel_loop3A_162 = vector.broadcast %parallel_loop3A_159 : i32 to vector<16xi32>
      %parallel_loop3A_163 = arith.minsi %parallel_loop3A_162, %parallel_loop3A_161 : vector<16xi32>
      %parallel_loop3A_164 = arith.constant 0 : i32
      %parallel_loop3A_165 = arith.constant 63 : i32
      %parallel_loop3A_166 = vector.broadcast %parallel_loop3A_164 : i32 to vector<16xi32>
      %parallel_loop3A_167 = arith.maxsi %parallel_loop3A_166, %parallel_loop3A_157 : vector<16xi32>
      %parallel_loop3A_168 = vector.broadcast %parallel_loop3A_165 : i32 to vector<16xi32>
      %parallel_loop3A_169 = arith.minsi %parallel_loop3A_168, %parallel_loop3A_167 : vector<16xi32>
      %parallel_loop3A_170 = arith.constant 64 : i32
      %parallel_loop3A_171 = vector.broadcast %parallel_loop3A_170 : i32 to vector<16xi32>
      %parallel_loop3A_172 = arith.muli %parallel_loop3A_163, %parallel_loop3A_171 : vector<16xi32>
      %parallel_loop3A_173 = arith.addi %parallel_loop3A_172, %parallel_loop3A_169 : vector<16xi32>
      %parallel_loop3A_174 = arith.constant 16 : i32
      %parallel_loop3A_175 = arith.muli %parallel_loop3A_127, %parallel_loop3A_174 : i32
      %parallel_loop3A_176 = arith.index_cast %parallel_loop3A_175 : i32 to index
      %parallel_loop3A_177 = tpu.vector_load %arg10[%parallel_loop3A_176] {strides = array<i32>} : memref<8192xi32, #tpu.memory_space<vmem>>, vector<16xi32>,
      tpu.vector_store %arg10[%parallel_loop3A_176], %parallel_loop3A_173 {strides = array<i32>} : memref<8192xi32, #tpu.memory_space<vmem>>, vector<16xi32>,
      %parallel_loop3A_178 = arith.constant 4 : i32
      %parallel_loop3A_179 = vector.broadcast %parallel_loop3A_178 : i32 to vector<16xi32>
      %parallel_loop3A_180 = arith.shrsi %parallel_loop3A_173, %parallel_loop3A_179 : vector<16xi32>
      %parallel_loop3A_181 = arith.constant 15 : i32
      %parallel_loop3A_182 = vector.broadcast %parallel_loop3A_181 : i32 to vector<16xi32>
      %parallel_loop3A_183 = arith.andi %parallel_loop3A_173, %parallel_loop3A_182 : vector<16xi32>
      tpu.vector_store_idx %arg11[%parallel_loop3A_180, %parallel_loop3A_183], %broadcast_in_dim3A_88 : memref<256x16xf32, #tpu.memory_space<vmem>>[vector<16xi32>, vector<16xi32>], vector<16xf32>,
      tpu.vector_store_idx %arg12[%parallel_loop3A_180, %parallel_loop3A_183], %parallel_loop3A_143 {add = true} : memref<256x16xf32, #tpu.memory_space<vmem>>[vector<16xi32>, vector<16xi32>], vector<16xf32>,
      %parallel_loop3A_184 = tpu.vector_load_idx %arg14[%parallel_loop3A_173] : memref<4096xf32, #tpu.memory_space<vmem>>[vector<16xi32>], vector<16xf32>,
      %parallel_loop3A_185 = arith.addf %parallel_loop3A_128, %parallel_loop3A_184 : vector<16xf32>
      scf.yield %parallel_loop3A_185 : vector<16xf32>
    } {sc.loop_unroll_factor = 4 : i64, sc.parallel_access}
    %swap3A = arith.constant 0 : index
    %swap3A_92 = tpu.vector_load %arg20[%swap3A] {strides = array<i32>} : memref<16xf32, #tpu.memory_space<vmem>>, vector<16xf32>,
    tpu.vector_store %arg20[%swap3A], %parallel_loop3A_91 {strides = array<i32>} : memref<16xf32, #tpu.memory_space<vmem>>, vector<16xf32>,
    "tpu.region"() ({
      %run_scoped3A = tpu.sem_alloc : memref<!tpu.dma_semaphore, #tpu.memory_space<semaphore_mem>>
      %dma_start3A_127 = arith.constant 0 : i32
      %dma_start3A_128 = tpu.memref_slice %arg31[%arg1, %dma_start3A_127] : memref<16x16xf32, #tpu.memory_space<vmem_shared>> -> memref<1x16xf32, #tpu.memory_space<vmem_shared>>
      %dma_start3A_129 = tpu.memref_squeeze %dma_start3A_128 : memref<1x16xf32, #tpu.memory_space<vmem_shared>> -> memref<16xf32, #tpu.memory_space<vmem_shared>>
      %dma_start3A_130 = arith.constant 0 : i32
      %dma_start3A_131 = tpu.memref_slice %arg31[%arg1, %dma_start3A_130] : memref<16x16xf32, #tpu.memory_space<vmem_shared>> -> memref<1x16xf32, #tpu.memory_space<vmem_shared>>
      %dma_start3A_132 = tpu.memref_squeeze %dma_start3A_131 : memref<1x16xf32, #tpu.memory_space<vmem_shared>> -> memref<16xf32, #tpu.memory_space<vmem_shared>>
      tpu.enqueue_dma source(%arg20 : memref<16xf32, #tpu.memory_space<vmem>>) target(%dma_start3A_132 : memref<16xf32, #tpu.memory_space<vmem_shared>>) target_semaphore(%run_scoped3A : memref<!tpu.dma_semaphore, #tpu.memory_space<semaphore_mem>>)
      %dma_wait3A_133 = arith.constant 0 : i32
      %dma_wait3A_134 = tpu.memref_slice %arg31[%arg1, %dma_wait3A_133] : memref<16x16xf32, #tpu.memory_space<vmem_shared>> -> memref<1x16xf32, #tpu.memory_space<vmem_shared>>
      %dma_wait3A_135 = tpu.memref_squeeze %dma_wait3A_134 : memref<1x16xf32, #tpu.memory_space<vmem_shared>> -> memref<16xf32, #tpu.memory_space<vmem_shared>>
      %dma_wait3A_136 = arith.constant 0 : i32
      %dma_wait3A_137 = tpu.memref_slice %arg31[%arg1, %dma_wait3A_136] : memref<16x16xf32, #tpu.memory_space<vmem_shared>> -> memref<1x16xf32, #tpu.memory_space<vmem_shared>>
      %dma_wait3A_138 = tpu.memref_squeeze %dma_wait3A_137 : memref<1x16xf32, #tpu.memory_space<vmem_shared>> -> memref<16xf32, #tpu.memory_space<vmem_shared>>
      tpu.wait_dma2 semaphore(%run_scoped3A : memref<!tpu.dma_semaphore, #tpu.memory_space<semaphore_mem>>) src(%arg20 : memref<16xf32, #tpu.memory_space<vmem>>) dst(%dma_wait3A_138 : memref<16xf32, #tpu.memory_space<vmem_shared>>)
      tpu.yield
    }) : () -> ()
    "tpu.region"() ({
      %run_scoped3A = tpu.sem_alloc : memref<!tpu.dma_semaphore, #tpu.memory_space<semaphore_mem>>
      %dma_start3A_127 = arith.constant 0 : i32
      %dma_start3A_128 = arith.constant 0 : i32
      %dma_start3A_129 = tpu.memref_slice %arg11[%dma_start3A_127, %dma_start3A_128] : memref<256x16xf32, #tpu.memory_space<vmem>> -> memref<128x16xf32, #tpu.memory_space<vmem>>
      %dma_start3A_130 = arith.constant 0 : i32
      %dma_start3A_131 = arith.constant 0 : i32
      %dma_start3A_132 = tpu.memref_slice %arg27[%dma_start3A_130, %dma_start3A_131] : memref<256x16xf32, #tpu.memory_space<vmem_shared>> -> memref<256x16xf32, #tpu.memory_space<vmem_shared>>
      tpu.enqueue_indirect_dma source(%dma_start3A_129 : memref<128x16xf32, #tpu.memory_space<vmem>>) target(%dma_start3A_132 : memref<256x16xf32, #tpu.memory_space<vmem_shared>>) offsets(%arg22 : memref<128xi32, #tpu.memory_space<vmem>>) semaphore(%run_scoped3A : memref<!tpu.dma_semaphore, #tpu.memory_space<semaphore_mem>>) {add = true}
      %dma_wait3A_133 = arith.constant 0 : i32
      %dma_wait3A_134 = arith.constant 0 : i32
      %dma_wait3A_135 = tpu.memref_slice %arg11[%dma_wait3A_133, %dma_wait3A_134] : memref<256x16xf32, #tpu.memory_space<vmem>> -> memref<128x16xf32, #tpu.memory_space<vmem>>
      %dma_wait3A_136 = arith.constant 0 : i32
      %dma_wait3A_137 = arith.constant 0 : i32
      %dma_wait3A_138 = tpu.memref_slice %arg27[%dma_wait3A_136, %dma_wait3A_137] : memref<256x16xf32, #tpu.memory_space<vmem_shared>> -> memref<256x16xf32, #tpu.memory_space<vmem_shared>>
      tpu.wait_indirect_dma semaphore(%run_scoped3A : memref<!tpu.dma_semaphore, #tpu.memory_space<semaphore_mem>>) src(%dma_wait3A_135 : memref<128x16xf32, #tpu.memory_space<vmem>>) dst(%dma_wait3A_138 : memref<256x16xf32, #tpu.memory_space<vmem_shared>>)
      tpu.yield
    }) : () -> ()
    "tpu.region"() ({
      %run_scoped3A = tpu.sem_alloc : memref<!tpu.dma_semaphore, #tpu.memory_space<semaphore_mem>>
      %dma_start3A_127 = arith.constant 128 : i32
      %dma_start3A_128 = arith.constant 0 : i32
      %dma_start3A_129 = tpu.memref_slice %arg11[%dma_start3A_127, %dma_start3A_128] : memref<256x16xf32, #tpu.memory_space<vmem>> -> memref<128x16xf32, #tpu.memory_space<vmem>>
      %dma_start3A_130 = arith.constant 0 : i32
      %dma_start3A_131 = arith.constant 0 : i32
      %dma_start3A_132 = tpu.memref_slice %arg27[%dma_start3A_130, %dma_start3A_131] : memref<256x16xf32, #tpu.memory_space<vmem_shared>> -> memref<256x16xf32, #tpu.memory_space<vmem_shared>>
      tpu.enqueue_indirect_dma source(%dma_start3A_129 : memref<128x16xf32, #tpu.memory_space<vmem>>) target(%dma_start3A_132 : memref<256x16xf32, #tpu.memory_space<vmem_shared>>) offsets(%arg23 : memref<128xi32, #tpu.memory_space<vmem>>) semaphore(%run_scoped3A : memref<!tpu.dma_semaphore, #tpu.memory_space<semaphore_mem>>) {add = true}
      %dma_wait3A_133 = arith.constant 128 : i32
      %dma_wait3A_134 = arith.constant 0 : i32
      %dma_wait3A_135 = tpu.memref_slice %arg11[%dma_wait3A_133, %dma_wait3A_134] : memref<256x16xf32, #tpu.memory_space<vmem>> -> memref<128x16xf32, #tpu.memory_space<vmem>>
      %dma_wait3A_136 = arith.constant 0 : i32
      %dma_wait3A_137 = arith.constant 0 : i32
      %dma_wait3A_138 = tpu.memref_slice %arg27[%dma_wait3A_136, %dma_wait3A_137] : memref<256x16xf32, #tpu.memory_space<vmem_shared>> -> memref<256x16xf32, #tpu.memory_space<vmem_shared>>
      tpu.wait_indirect_dma semaphore(%run_scoped3A : memref<!tpu.dma_semaphore, #tpu.memory_space<semaphore_mem>>) src(%dma_wait3A_135 : memref<128x16xf32, #tpu.memory_space<vmem>>) dst(%dma_wait3A_138 : memref<256x16xf32, #tpu.memory_space<vmem_shared>>)
      tpu.yield
    }) : () -> ()
    "tpu.region"() ({
      %run_scoped3A = tpu.sem_alloc : memref<!tpu.dma_semaphore, #tpu.memory_space<semaphore_mem>>
      %dma_start3A_127 = arith.constant 0 : i32
      %dma_start3A_128 = arith.constant 0 : i32
      %dma_start3A_129 = tpu.memref_slice %arg12[%dma_start3A_127, %dma_start3A_128] : memref<256x16xf32, #tpu.memory_space<vmem>> -> memref<128x16xf32, #tpu.memory_space<vmem>>
      %dma_start3A_130 = arith.constant 0 : i32
      %dma_start3A_131 = arith.constant 0 : i32
      %dma_start3A_132 = tpu.memref_slice %arg30[%dma_start3A_130, %dma_start3A_131] : memref<1024x16xf32, #tpu.memory_space<vmem_shared>> -> memref<1024x16xf32, #tpu.memory_space<vmem_shared>>
      tpu.enqueue_indirect_dma source(%dma_start3A_129 : memref<128x16xf32, #tpu.memory_space<vmem>>) target(%dma_start3A_132 : memref<1024x16xf32, #tpu.memory_space<vmem_shared>>) offsets(%arg24 : memref<128xi32, #tpu.memory_space<vmem>>) semaphore(%run_scoped3A : memref<!tpu.dma_semaphore, #tpu.memory_space<semaphore_mem>>) {add = true}
      %dma_wait3A_133 = arith.constant 0 : i32
      %dma_wait3A_134 = arith.constant 0 : i32
      %dma_wait3A_135 = tpu.memref_slice %arg12[%dma_wait3A_133, %dma_wait3A_134] : memref<256x16xf32, #tpu.memory_space<vmem>> -> memref<128x16xf32, #tpu.memory_space<vmem>>
      %dma_wait3A_136 = arith.constant 0 : i32
      %dma_wait3A_137 = arith.constant 0 : i32
      %dma_wait3A_138 = tpu.memref_slice %arg30[%dma_wait3A_136, %dma_wait3A_137] : memref<1024x16xf32, #tpu.memory_space<vmem_shared>> -> memref<1024x16xf32, #tpu.memory_space<vmem_shared>>
      tpu.wait_indirect_dma semaphore(%run_scoped3A : memref<!tpu.dma_semaphore, #tpu.memory_space<semaphore_mem>>) src(%dma_wait3A_135 : memref<128x16xf32, #tpu.memory_space<vmem>>) dst(%dma_wait3A_138 : memref<1024x16xf32, #tpu.memory_space<vmem_shared>>)
      tpu.yield
    }) : () -> ()
    "tpu.region"() ({
      %run_scoped3A = tpu.sem_alloc : memref<!tpu.dma_semaphore, #tpu.memory_space<semaphore_mem>>
      %dma_start3A_127 = arith.constant 128 : i32
      %dma_start3A_128 = arith.constant 0 : i32
      %dma_start3A_129 = tpu.memref_slice %arg12[%dma_start3A_127, %dma_start3A_128] : memref<256x16xf32, #tpu.memory_space<vmem>> -> memref<128x16xf32, #tpu.memory_space<vmem>>
      %dma_start3A_130 = arith.constant 0 : i32
      %dma_start3A_131 = arith.constant 0 : i32
      %dma_start3A_132 = tpu.memref_slice %arg30[%dma_start3A_130, %dma_start3A_131] : memref<1024x16xf32, #tpu.memory_space<vmem_shared>> -> memref<1024x16xf32, #tpu.memory_space<vmem_shared>>
      tpu.enqueue_indirect_dma source(%dma_start3A_129 : memref<128x16xf32, #tpu.memory_space<vmem>>) target(%dma_start3A_132 : memref<1024x16xf32, #tpu.memory_space<vmem_shared>>) offsets(%arg25 : memref<128xi32, #tpu.memory_space<vmem>>) semaphore(%run_scoped3A : memref<!tpu.dma_semaphore, #tpu.memory_space<semaphore_mem>>) {add = true}
      %dma_wait3A_133 = arith.constant 128 : i32
      %dma_wait3A_134 = arith.constant 0 : i32
      %dma_wait3A_135 = tpu.memref_slice %arg12[%dma_wait3A_133, %dma_wait3A_134] : memref<256x16xf32, #tpu.memory_space<vmem>> -> memref<128x16xf32, #tpu.memory_space<vmem>>
      %dma_wait3A_136 = arith.constant 0 : i32
      %dma_wait3A_137 = arith.constant 0 : i32
      %dma_wait3A_138 = tpu.memref_slice %arg30[%dma_wait3A_136, %dma_wait3A_137] : memref<1024x16xf32, #tpu.memory_space<vmem_shared>> -> memref<1024x16xf32, #tpu.memory_space<vmem_shared>>
      tpu.wait_indirect_dma semaphore(%run_scoped3A : memref<!tpu.dma_semaphore, #tpu.memory_space<semaphore_mem>>) src(%dma_wait3A_135 : memref<128x16xf32, #tpu.memory_space<vmem>>) dst(%dma_wait3A_138 : memref<1024x16xf32, #tpu.memory_space<vmem_shared>>)
      tpu.yield
    }) : () -> ()
    %barrier3A_93 = arith.constant 0 : index
    tpu.barrier barrier_id(%barrier3A_93)
    %eq3A_94 = arith.constant 0 : i32
    %eq3A_95 = arith.cmpi eq, %arg1, %eq3A_94 : i32
    %convert_element_type3A_96 = arith.extui %eq3A_95 : i1 to i32
    %cond3A_97 = arith.constant 0 : i32
    %cond3A_98 = arith.cmpi ne, %convert_element_type3A_96, %cond3A_97 : i32
    scf.if %cond3A_98 {
      "tpu.region"() ({
        %run_scoped3A = tpu.sem_alloc : memref<!tpu.dma_semaphore, #tpu.memory_space<semaphore_mem>>
        tpu.enqueue_dma source(%arg27 : memref<256x16xf32, #tpu.memory_space<vmem_shared>>) target(%arg16 : memref<256x16xf32, #tpu.memory_space<vmem>>) target_semaphore(%run_scoped3A : memref<!tpu.dma_semaphore, #tpu.memory_space<semaphore_mem>>)
        tpu.wait_dma2 semaphore(%run_scoped3A : memref<!tpu.dma_semaphore, #tpu.memory_space<semaphore_mem>>) src(%arg27 : memref<256x16xf32, #tpu.memory_space<vmem_shared>>) dst(%arg16 : memref<256x16xf32, #tpu.memory_space<vmem>>)
        tpu.yield
      }) : () -> ()
      %scan3A_127 = arith.constant 0 : i32
      %scan3A_128 = arith.constant 0 : i32
      %scan3A_129 = arith.constant 256 : i32
      %scan3A_130 = arith.addi %scan3A_128, %scan3A_129 : i32
      %scan3A_131 = arith.constant 1 : i32
      %scan3A_132 = scf.for %scan3A_140 = %scan3A_128 to %scan3A_130 step %scan3A_131 iter_args(%scan3A_141 = %scan3A_127) -> (i32)  : i32 {
        %get3A = arith.index_cast %scan3A_140 : i32 to index
        %get3A_142 = arith.constant 0 : index
        %get3A_143 = tpu.vector_load %arg16[%get3A, %get3A_142] {strides = array<i32>} : memref<256x16xf32, #tpu.memory_space<vmem>>, vector<16xf32>,
        %gt3A = arith.constant 0.000000e+00 : f32
        %gt3A_144 = vector.broadcast %gt3A : f32 to vector<16xf32>
        %gt3A_145 = arith.cmpf ogt, %get3A_143, %gt3A_144 : vector<16xf32>
        %convert_element_type3A_146 = arith.extui %gt3A_145 : vector<16xi1> to vector<16xi32>
        %cumsum3A = arith.constant true
        %cumsum3A_147 = vector.broadcast %cumsum3A : i1 to vector<16xi1>
        %cumsum3A_148 = tpu.scan <sum>, %convert_element_type3A_146 masked %cumsum3A_147 : vector<16xi32>, vector<16xi1> -> vector<16xi32>
        %add3A_149 = vector.broadcast %scan3A_141 : i32 to vector<16xi32>
        %add3A_150 = arith.addi %add3A_149, %cumsum3A_148 : vector<16xi32>
        %sub3A_151 = arith.subi %add3A_150, %convert_element_type3A_146 : vector<16xi32>
        %jit3A_152 = arith.constant 4096 : i32
        %broadcast_in_dim3A_153 = vector.broadcast %jit3A_152 : i32 to vector<16xi32>
        %select_n3A_154 = arith.select %gt3A_145, %sub3A_151, %broadcast_in_dim3A_153 : vector<16xi1>, vector<16xi32>
        %shift_right_arithmetic3A = arith.constant 4 : i32
        %shift_right_arithmetic3A_155 = vector.broadcast %shift_right_arithmetic3A : i32 to vector<16xi32>
        %shift_right_arithmetic3A_156 = arith.shrsi %select_n3A_154, %shift_right_arithmetic3A_155 : vector<16xi32>
        %and3A_157 = arith.constant 15 : i32
        %and3A_158 = vector.broadcast %and3A_157 : i32 to vector<16xi32>
        %and3A_159 = arith.andi %select_n3A_154, %and3A_158 : vector<16xi32>
        %mul3A_160 = arith.constant 16 : i32
        %mul3A_161 = arith.muli %scan3A_140, %mul3A_160 : i32
        %add3A_162 = vector.broadcast %mul3A_161 : i32 to vector<16xi32>
        %add3A_163 = arith.addi %iota3A, %add3A_162 : vector<16xi32>
        tpu.vector_store_idx %arg13[%shift_right_arithmetic3A_156, %and3A_159], %add3A_163 : memref<257x16xi32, #tpu.memory_space<vmem>>[vector<16xi32>, vector<16xi32>], vector<16xi32>,
        %reduce_sum3A = arith.constant true
        %reduce_sum3A_164 = vector.broadcast %reduce_sum3A : i1 to vector<16xi1>
        %reduce_sum3A_165 = tpu.scan <sum>, %convert_element_type3A_146 masked %reduce_sum3A_164 : vector<16xi32>, vector<16xi1> -> vector<16xi32>
        %reduce_sum3A_166 = vector.extract %reduce_sum3A_165[15] : i32 from vector<16xi32>
        %add3A_167 = arith.addi %scan3A_141, %reduce_sum3A_166 : i32
        scf.yield %add3A_167 : i32
      }
      %scan3A_133 = arith.constant 256 : i32
      %broadcast_in_dim3A_134 = arith.constant 0 : i32
      %broadcast_in_dim3A_135 = vector.broadcast %broadcast_in_dim3A_134 : i32 to vector<16xi32>
      %add3A_136 = vector.broadcast %scan3A_132 : i32 to vector<16xi32>
      %add3A_137 = arith.addi %broadcast_in_dim3A_135, %add3A_136 : vector<16xi32>
      %swap3A_138 = arith.constant 0 : index
      %swap3A_139 = tpu.vector_load %arg17[%swap3A_138] {strides = array<i32>} : memref<16xi32, #tpu.memory_space<vmem>>, vector<16xi32>,
      tpu.vector_store %arg17[%swap3A_138], %add3A_137 {strides = array<i32>} : memref<16xi32, #tpu.memory_space<vmem>>, vector<16xi32>,
      "tpu.region"() ({
        %run_scoped3A = tpu.sem_alloc : memref<!tpu.dma_semaphore, #tpu.memory_space<semaphore_mem>>
        %dma_start3A_140 = arith.constant 0 : i32
        %dma_start3A_141 = arith.constant 0 : i32
        %dma_start3A_142 = tpu.memref_slice %arg13[%dma_start3A_140, %dma_start3A_141] : memref<257x16xi32, #tpu.memory_space<vmem>> -> memref<256x16xi32, #tpu.memory_space<vmem>>
        %dma_start3A_143 = arith.constant 0 : i32
        %dma_start3A_144 = arith.constant 0 : i32
        %dma_start3A_145 = tpu.memref_slice %arg13[%dma_start3A_143, %dma_start3A_144] : memref<257x16xi32, #tpu.memory_space<vmem>> -> memref<256x16xi32, #tpu.memory_space<vmem>>
        tpu.enqueue_dma source(%dma_start3A_145 : memref<256x16xi32, #tpu.memory_space<vmem>>) target(%arg28 : memref<256x16xi32, #tpu.memory_space<vmem_shared>>) target_semaphore(%run_scoped3A : memref<!tpu.dma_semaphore, #tpu.memory_space<semaphore_mem>>)
        %dma_wait3A_146 = arith.constant 0 : i32
        %dma_wait3A_147 = arith.constant 0 : i32
        %dma_wait3A_148 = tpu.memref_slice %arg13[%dma_wait3A_146, %dma_wait3A_147] : memref<257x16xi32, #tpu.memory_space<vmem>> -> memref<256x16xi32, #tpu.memory_space<vmem>>
        %dma_wait3A_149 = arith.constant 0 : i32
        %dma_wait3A_150 = arith.constant 0 : i32
        %dma_wait3A_151 = tpu.memref_slice %arg13[%dma_wait3A_149, %dma_wait3A_150] : memref<257x16xi32, #tpu.memory_space<vmem>> -> memref<256x16xi32, #tpu.memory_space<vmem>>
        tpu.wait_dma2 semaphore(%run_scoped3A : memref<!tpu.dma_semaphore, #tpu.memory_space<semaphore_mem>>) src(%dma_wait3A_151 : memref<256x16xi32, #tpu.memory_space<vmem>>) dst(%arg28 : memref<256x16xi32, #tpu.memory_space<vmem_shared>>)
        tpu.yield
      }) : () -> ()
      "tpu.region"() ({
        %run_scoped3A = tpu.sem_alloc : memref<!tpu.dma_semaphore, #tpu.memory_space<semaphore_mem>>
        tpu.enqueue_dma source(%arg17 : memref<16xi32, #tpu.memory_space<vmem>>) target(%arg29 : memref<16xi32, #tpu.memory_space<vmem_shared>>) target_semaphore(%run_scoped3A : memref<!tpu.dma_semaphore, #tpu.memory_space<semaphore_mem>>)
        tpu.wait_dma2 semaphore(%run_scoped3A : memref<!tpu.dma_semaphore, #tpu.memory_space<semaphore_mem>>) src(%arg17 : memref<16xi32, #tpu.memory_space<vmem>>) dst(%arg29 : memref<16xi32, #tpu.memory_space<vmem_shared>>)
        tpu.yield
      }) : () -> ()
    } else {
    }
    %barrier3A_99 = arith.constant 0 : index
    tpu.barrier barrier_id(%barrier3A_99)
    %jit3A_100 = arith.constant 4 : i32
    %eq3A_101 = arith.constant 0 : i32
    %eq3A_102 = arith.cmpi eq, %jit3A_100, %eq3A_101 : i32
    %jit3A_103 = arith.constant 1 : i32
    %select_n3A_104 = arith.select %eq3A_102, %jit3A_103, %jit3A_100 : i32
    %rem3A_105 = arith.remsi %arg1, %select_n3A_104 : i32
    %ne3A_106 = arith.constant 0 : i32
    %ne3A_107 = arith.cmpi ne, %rem3A_105, %ne3A_106 : i32
    %lt3A_108 = arith.constant 0 : i32
    %lt3A_109 = arith.cmpi slt, %rem3A_105, %lt3A_108 : i32
    %lt3A_110 = arith.constant 0 : i32
    %lt3A_111 = arith.cmpi slt, %select_n3A_104, %lt3A_110 : i32
    %ne3A_112 = arith.xori %lt3A_109, %lt3A_111 : i1
    %and3A_113 = arith.andi %ne3A_112, %ne3A_107 : i1
    %add3A_114 = arith.addi %rem3A_105, %select_n3A_104 : i32
    %select_n3A_115 = arith.select %and3A_113, %add3A_114, %rem3A_105 : i32
    %eq3A_116 = arith.constant 0 : i32
    %eq3A_117 = arith.cmpi eq, %select_n3A_115, %eq3A_116 : i32
    %convert_element_type3A_118 = arith.extui %eq3A_117 : i1 to i32
    %cond3A_119 = arith.constant 0 : i32
    %cond3A_120 = arith.cmpi ne, %convert_element_type3A_118, %cond3A_119 : i32
    scf.if %cond3A_120 {
      "tpu.region"() ({
        %run_scoped3A = tpu.sem_alloc : memref<!tpu.dma_semaphore, #tpu.memory_space<semaphore_mem>>
        %dma_start3A_134 = arith.constant 0 : i32
        %dma_start3A_135 = tpu.memref_slice %arg30[%mul3A_16, %dma_start3A_134] : memref<1024x16xf32, #tpu.memory_space<vmem_shared>> -> memref<256x16xf32, #tpu.memory_space<vmem_shared>>
        %dma_start3A_136 = arith.constant 0 : i32
        %dma_start3A_137 = tpu.memref_slice %arg30[%mul3A_16, %dma_start3A_136] : memref<1024x16xf32, #tpu.memory_space<vmem_shared>> -> memref<256x16xf32, #tpu.memory_space<vmem_shared>>
        tpu.enqueue_dma source(%dma_start3A_137 : memref<256x16xf32, #tpu.memory_space<vmem_shared>>) target(%arg12 : memref<256x16xf32, #tpu.memory_space<vmem>>) target_semaphore(%run_scoped3A : memref<!tpu.dma_semaphore, #tpu.memory_space<semaphore_mem>>)
        %dma_wait3A_138 = arith.constant 0 : i32
        %dma_wait3A_139 = tpu.memref_slice %arg30[%mul3A_16, %dma_wait3A_138] : memref<1024x16xf32, #tpu.memory_space<vmem_shared>> -> memref<256x16xf32, #tpu.memory_space<vmem_shared>>
        %dma_wait3A_140 = arith.constant 0 : i32
        %dma_wait3A_141 = tpu.memref_slice %arg30[%mul3A_16, %dma_wait3A_140] : memref<1024x16xf32, #tpu.memory_space<vmem_shared>> -> memref<256x16xf32, #tpu.memory_space<vmem_shared>>
        tpu.wait_dma2 semaphore(%run_scoped3A : memref<!tpu.dma_semaphore, #tpu.memory_space<semaphore_mem>>) src(%dma_wait3A_141 : memref<256x16xf32, #tpu.memory_space<vmem_shared>>) dst(%arg12 : memref<256x16xf32, #tpu.memory_space<vmem>>)
        tpu.yield
      }) : () -> ()
      "tpu.region"() ({
        %run_scoped3A = tpu.sem_alloc : memref<!tpu.dma_semaphore, #tpu.memory_space<semaphore_mem>>
        %dma_start3A_134 = arith.constant 0 : i32
        %dma_start3A_135 = arith.constant 0 : i32
        %dma_start3A_136 = tpu.memref_slice %arg13[%dma_start3A_134, %dma_start3A_135] : memref<257x16xi32, #tpu.memory_space<vmem>> -> memref<256x16xi32, #tpu.memory_space<vmem>>
        %dma_start3A_137 = arith.constant 0 : i32
        %dma_start3A_138 = arith.constant 0 : i32
        %dma_start3A_139 = tpu.memref_slice %arg13[%dma_start3A_137, %dma_start3A_138] : memref<257x16xi32, #tpu.memory_space<vmem>> -> memref<256x16xi32, #tpu.memory_space<vmem>>
        tpu.enqueue_dma source(%arg28 : memref<256x16xi32, #tpu.memory_space<vmem_shared>>) target(%dma_start3A_139 : memref<256x16xi32, #tpu.memory_space<vmem>>) target_semaphore(%run_scoped3A : memref<!tpu.dma_semaphore, #tpu.memory_space<semaphore_mem>>)
        %dma_wait3A_140 = arith.constant 0 : i32
        %dma_wait3A_141 = arith.constant 0 : i32
        %dma_wait3A_142 = tpu.memref_slice %arg13[%dma_wait3A_140, %dma_wait3A_141] : memref<257x16xi32, #tpu.memory_space<vmem>> -> memref<256x16xi32, #tpu.memory_space<vmem>>
        %dma_wait3A_143 = arith.constant 0 : i32
        %dma_wait3A_144 = arith.constant 0 : i32
        %dma_wait3A_145 = tpu.memref_slice %arg13[%dma_wait3A_143, %dma_wait3A_144] : memref<257x16xi32, #tpu.memory_space<vmem>> -> memref<256x16xi32, #tpu.memory_space<vmem>>
        tpu.wait_dma2 semaphore(%run_scoped3A : memref<!tpu.dma_semaphore, #tpu.memory_space<semaphore_mem>>) src(%arg28 : memref<256x16xi32, #tpu.memory_space<vmem_shared>>) dst(%dma_wait3A_145 : memref<256x16xi32, #tpu.memory_space<vmem>>)
        tpu.yield
      }) : () -> ()
      "tpu.region"() ({
        %run_scoped3A = tpu.sem_alloc : memref<!tpu.dma_semaphore, #tpu.memory_space<semaphore_mem>>
        tpu.enqueue_dma source(%arg29 : memref<16xi32, #tpu.memory_space<vmem_shared>>) target(%arg17 : memref<16xi32, #tpu.memory_space<vmem>>) target_semaphore(%run_scoped3A : memref<!tpu.dma_semaphore, #tpu.memory_space<semaphore_mem>>)
        tpu.wait_dma2 semaphore(%run_scoped3A : memref<!tpu.dma_semaphore, #tpu.memory_space<semaphore_mem>>) src(%arg29 : memref<16xi32, #tpu.memory_space<vmem_shared>>) dst(%arg17 : memref<16xi32, #tpu.memory_space<vmem>>)
        tpu.yield
      }) : () -> ()
      %get3A = arith.constant 0 : index
      %get3A_127 = tpu.vector_load %arg17[%get3A] {strides = array<i32>} : memref<16xi32, #tpu.memory_space<vmem>>, vector<16xi32>,
      %parallel_loop3A_128 = arith.constant 0 : i32
      %parallel_loop3A_129 = arith.constant 256 : i32
      %parallel_loop3A_130 = arith.constant 1 : i32
      %parallel_loop3A_131 = scf.for %parallel_loop3A_134 = %parallel_loop3A_128 to %parallel_loop3A_129 step %parallel_loop3A_130 iter_args(%parallel_loop3A_135 = %broadcast_in_dim3A_51) -> (vector<16xf32>)  : i32 {
        %parallel_loop3A_136 = arith.constant 16 : i32
        %parallel_loop3A_137 = arith.muli %parallel_loop3A_134, %parallel_loop3A_136 : i32
        %parallel_loop3A_138 = vector.broadcast %parallel_loop3A_137 : i32 to vector<16xi32>
        %parallel_loop3A_139 = arith.addi %iota3A, %parallel_loop3A_138 : vector<16xi32>
        %parallel_loop3A_140 = arith.index_cast %parallel_loop3A_134 : i32 to index
        %parallel_loop3A_141 = arith.constant 0 : index
        %parallel_loop3A_142 = tpu.vector_load %arg13[%parallel_loop3A_140, %parallel_loop3A_141] {strides = array<i32>} : memref<257x16xi32, #tpu.memory_space<vmem>>, vector<16xi32>,
        %parallel_loop3A_143 = arith.constant 4095 : i32
        %parallel_loop3A_144 = vector.broadcast %parallel_loop3A_143 : i32 to vector<16xi32>
        %parallel_loop3A_145 = arith.andi %parallel_loop3A_142, %parallel_loop3A_144 : vector<16xi32>
        %parallel_loop3A_146 = arith.constant 4 : i32
        %parallel_loop3A_147 = vector.broadcast %parallel_loop3A_146 : i32 to vector<16xi32>
        %parallel_loop3A_148 = arith.shrsi %parallel_loop3A_145, %parallel_loop3A_147 : vector<16xi32>
        %parallel_loop3A_149 = arith.constant 15 : i32
        %parallel_loop3A_150 = vector.broadcast %parallel_loop3A_149 : i32 to vector<16xi32>
        %parallel_loop3A_151 = arith.andi %parallel_loop3A_145, %parallel_loop3A_150 : vector<16xi32>
        %parallel_loop3A_152 = tpu.vector_load_idx %arg12[%parallel_loop3A_148, %parallel_loop3A_151] : memref<256x16xf32, #tpu.memory_space<vmem>>[vector<16xi32>, vector<16xi32>], vector<16xf32>,
        %parallel_loop3A_153 = arith.cmpi slt, %parallel_loop3A_139, %get3A_127 : vector<16xi32>
        %parallel_loop3A_154 = arith.constant 0.000000e+00 : f32
        %parallel_loop3A_155 = vector.broadcast %parallel_loop3A_154 : f32 to vector<16xf32>
        %parallel_loop3A_156 = arith.select %parallel_loop3A_153, %parallel_loop3A_152, %parallel_loop3A_155 : vector<16xi1>, vector<16xf32>
        %parallel_loop3A_157 = arith.constant 16 : i32
        %parallel_loop3A_158 = arith.muli %parallel_loop3A_134, %parallel_loop3A_157 : i32
        %parallel_loop3A_159 = arith.index_cast %parallel_loop3A_158 : i32 to index
        %parallel_loop3A_160 = tpu.vector_load %arg10[%parallel_loop3A_159] {strides = array<i32>} : memref<8192xi32, #tpu.memory_space<vmem>>, vector<16xi32>,
        %parallel_loop3A_161 = tpu.vector_load_idx %arg15[%parallel_loop3A_160] : memref<4096xf32, #tpu.memory_space<vmem>>[vector<16xi32>], vector<16xf32>,
        %parallel_loop3A_162 = arith.constant 2.000000e+04 : f32
        %parallel_loop3A_163 = vector.broadcast %parallel_loop3A_162 : f32 to vector<16xf32>
        %parallel_loop3A_164 = arith.mulf %parallel_loop3A_163, %parallel_loop3A_156 : vector<16xf32>
        %parallel_loop3A_165 = arith.mulf %parallel_loop3A_164, %parallel_loop3A_156 : vector<16xf32>
        %parallel_loop3A_166 = arith.addf %parallel_loop3A_135, %parallel_loop3A_165 : vector<16xf32>
        %parallel_loop3A_167 = arith.constant 2.000000e+02 : f32
        %parallel_loop3A_168 = vector.broadcast %parallel_loop3A_167 : f32 to vector<16xf32>
        %parallel_loop3A_169 = arith.mulf %parallel_loop3A_168, %parallel_loop3A_156 : vector<16xf32>
        %parallel_loop3A_170 = arith.mulf %parallel_loop3A_169, %parallel_loop3A_161 : vector<16xf32>
        %parallel_loop3A_171 = arith.addf %parallel_loop3A_166, %parallel_loop3A_170 : vector<16xf32>
        scf.yield %parallel_loop3A_171 : vector<16xf32>
      } {sc.loop_unroll_factor = 4 : i64, sc.parallel_access}
      %swap3A_132 = arith.constant 0 : index
      %swap3A_133 = tpu.vector_load %arg20[%swap3A_132] {strides = array<i32>} : memref<16xf32, #tpu.memory_space<vmem>>, vector<16xf32>,
      tpu.vector_store %arg20[%swap3A_132], %parallel_loop3A_131 {strides = array<i32>} : memref<16xf32, #tpu.memory_space<vmem>>, vector<16xf32>,
      "tpu.region"() ({
        %run_scoped3A = tpu.sem_alloc : memref<!tpu.dma_semaphore, #tpu.memory_space<semaphore_mem>>
        %dma_start3A_134 = arith.constant 0 : i32
        %dma_start3A_135 = tpu.memref_slice %arg32[%select_n3A, %dma_start3A_134] : memref<4x16xf32, #tpu.memory_space<vmem_shared>> -> memref<1x16xf32, #tpu.memory_space<vmem_shared>>
        %dma_start3A_136 = tpu.memref_squeeze %dma_start3A_135 : memref<1x16xf32, #tpu.memory_space<vmem_shared>> -> memref<16xf32, #tpu.memory_space<vmem_shared>>
        %dma_start3A_137 = arith.constant 0 : i32
        %dma_start3A_138 = tpu.memref_slice %arg32[%select_n3A, %dma_start3A_137] : memref<4x16xf32, #tpu.memory_space<vmem_shared>> -> memref<1x16xf32, #tpu.memory_space<vmem_shared>>
        %dma_start3A_139 = tpu.memref_squeeze %dma_start3A_138 : memref<1x16xf32, #tpu.memory_space<vmem_shared>> -> memref<16xf32, #tpu.memory_space<vmem_shared>>
        tpu.enqueue_dma source(%arg20 : memref<16xf32, #tpu.memory_space<vmem>>) target(%dma_start3A_139 : memref<16xf32, #tpu.memory_space<vmem_shared>>) target_semaphore(%run_scoped3A : memref<!tpu.dma_semaphore, #tpu.memory_space<semaphore_mem>>)
        %dma_wait3A_140 = arith.constant 0 : i32
        %dma_wait3A_141 = tpu.memref_slice %arg32[%select_n3A, %dma_wait3A_140] : memref<4x16xf32, #tpu.memory_space<vmem_shared>> -> memref<1x16xf32, #tpu.memory_space<vmem_shared>>
        %dma_wait3A_142 = tpu.memref_squeeze %dma_wait3A_141 : memref<1x16xf32, #tpu.memory_space<vmem_shared>> -> memref<16xf32, #tpu.memory_space<vmem_shared>>
        %dma_wait3A_143 = arith.constant 0 : i32
        %dma_wait3A_144 = tpu.memref_slice %arg32[%select_n3A, %dma_wait3A_143] : memref<4x16xf32, #tpu.memory_space<vmem_shared>> -> memref<1x16xf32, #tpu.memory_space<vmem_shared>>
        %dma_wait3A_145 = tpu.memref_squeeze %dma_wait3A_144 : memref<1x16xf32, #tpu.memory_space<vmem_shared>> -> memref<16xf32, #tpu.memory_space<vmem_shared>>
        tpu.wait_dma2 semaphore(%run_scoped3A : memref<!tpu.dma_semaphore, #tpu.memory_space<semaphore_mem>>) src(%arg20 : memref<16xf32, #tpu.memory_space<vmem>>) dst(%dma_wait3A_145 : memref<16xf32, #tpu.memory_space<vmem_shared>>)
        tpu.yield
      }) : () -> ()
    } else {
    }
    %barrier3A_121 = arith.constant 0 : index
    tpu.barrier barrier_id(%barrier3A_121)
    %eq3A_122 = arith.constant 0 : i32
    %eq3A_123 = arith.cmpi eq, %arg1, %eq3A_122 : i32
    %convert_element_type3A_124 = arith.extui %eq3A_123 : i1 to i32
    %cond3A_125 = arith.constant 0 : i32
    %cond3A_126 = arith.cmpi ne, %convert_element_type3A_124, %cond3A_125 : i32
    scf.if %cond3A_126 {
      "tpu.region"() ({
        %run_scoped3A = tpu.sem_alloc : memref<!tpu.dma_semaphore, #tpu.memory_space<semaphore_mem>>
        tpu.enqueue_dma source(%arg31 : memref<16x16xf32, #tpu.memory_space<vmem_shared>>) target(%arg18 : memref<16x16xf32, #tpu.memory_space<vmem>>) target_semaphore(%run_scoped3A : memref<!tpu.dma_semaphore, #tpu.memory_space<semaphore_mem>>)
        tpu.wait_dma2 semaphore(%run_scoped3A : memref<!tpu.dma_semaphore, #tpu.memory_space<semaphore_mem>>) src(%arg31 : memref<16x16xf32, #tpu.memory_space<vmem_shared>>) dst(%arg18 : memref<16x16xf32, #tpu.memory_space<vmem>>)
        tpu.yield
      }) : () -> ()
      "tpu.region"() ({
        %run_scoped3A = tpu.sem_alloc : memref<!tpu.dma_semaphore, #tpu.memory_space<semaphore_mem>>
        tpu.enqueue_dma source(%arg32 : memref<4x16xf32, #tpu.memory_space<vmem_shared>>) target(%arg19 : memref<4x16xf32, #tpu.memory_space<vmem>>) target_semaphore(%run_scoped3A : memref<!tpu.dma_semaphore, #tpu.memory_space<semaphore_mem>>)
        tpu.wait_dma2 semaphore(%run_scoped3A : memref<!tpu.dma_semaphore, #tpu.memory_space<semaphore_mem>>) src(%arg32 : memref<4x16xf32, #tpu.memory_space<vmem_shared>>) dst(%arg19 : memref<4x16xf32, #tpu.memory_space<vmem>>)
        tpu.yield
      }) : () -> ()
      %scan3A_127 = arith.constant 0 : i32
      %scan3A_128 = arith.constant 16 : i32
      %scan3A_129 = arith.addi %scan3A_127, %scan3A_128 : i32
      %scan3A_130 = arith.constant 1 : i32
      %scan3A_131 = scf.for %scan3A_148 = %scan3A_127 to %scan3A_129 step %scan3A_130 iter_args(%scan3A_149 = %broadcast_in_dim3A_51) -> (vector<16xf32>)  : i32 {
        %get3A = arith.index_cast %scan3A_148 : i32 to index
        %get3A_150 = arith.constant 0 : index
        %get3A_151 = tpu.vector_load %arg18[%get3A, %get3A_150] {strides = array<i32>} : memref<16x16xf32, #tpu.memory_space<vmem>>, vector<16xf32>,
        %add3A_152 = arith.addf %scan3A_149, %get3A_151 : vector<16xf32>
        scf.yield %add3A_152 : vector<16xf32>
      }
      %scan3A_132 = arith.constant 16 : i32
      %scan3A_133 = arith.constant 0 : i32
      %scan3A_134 = arith.constant 4 : i32
      %scan3A_135 = arith.addi %scan3A_133, %scan3A_134 : i32
      %scan3A_136 = arith.constant 1 : i32
      %scan3A_137 = scf.for %scan3A_148 = %scan3A_133 to %scan3A_135 step %scan3A_136 iter_args(%scan3A_149 = %scan3A_131) -> (vector<16xf32>)  : i32 {
        %get3A = arith.index_cast %scan3A_148 : i32 to index
        %get3A_150 = arith.constant 0 : index
        %get3A_151 = tpu.vector_load %arg19[%get3A, %get3A_150] {strides = array<i32>} : memref<4x16xf32, #tpu.memory_space<vmem>>, vector<16xf32>,
        %add3A_152 = arith.addf %scan3A_149, %get3A_151 : vector<16xf32>
        scf.yield %add3A_152 : vector<16xf32>
      }
      %scan3A_138 = arith.constant 4 : i32
      %reduce_sum3A = arith.constant true
      %reduce_sum3A_139 = vector.broadcast %reduce_sum3A : i1 to vector<16xi1>
      %reduce_sum3A_140 = tpu.scan <sum>, %scan3A_137 masked %reduce_sum3A_139 : vector<16xf32>, vector<16xi1> -> vector<16xf32>
      %reduce_sum3A_141 = vector.extract %reduce_sum3A_140[15] : f32 from vector<16xf32>
      %broadcast_in_dim3A_142 = arith.constant 1.000000e+00 : f32
      %broadcast_in_dim3A_143 = vector.broadcast %broadcast_in_dim3A_142 : f32 to vector<16xf32>
      %mul3A_144 = vector.broadcast %reduce_sum3A_141 : f32 to vector<16xf32>
      %mul3A_145 = arith.mulf %broadcast_in_dim3A_143, %mul3A_144 : vector<16xf32>
      %swap3A_146 = arith.constant 0 : index
      %swap3A_147 = tpu.vector_load %arg21[%swap3A_146] {strides = array<i32>} : memref<16xf32, #tpu.memory_space<vmem>>, vector<16xf32>,
      tpu.vector_store %arg21[%swap3A_146], %mul3A_145 {strides = array<i32>} : memref<16xf32, #tpu.memory_space<vmem>>, vector<16xf32>,
      "tpu.region"() ({
        %run_scoped3A = tpu.sem_alloc : memref<!tpu.dma_semaphore, #tpu.memory_space<semaphore_mem>>
        tpu.enqueue_dma source(%arg21 : memref<16xf32, #tpu.memory_space<vmem>>) target(%arg6 : memref<16xf32, #tpu.memory_space<hbm>>) target_semaphore(%run_scoped3A : memref<!tpu.dma_semaphore, #tpu.memory_space<semaphore_mem>>)
        tpu.wait_dma2 semaphore(%run_scoped3A : memref<!tpu.dma_semaphore, #tpu.memory_space<semaphore_mem>>) src(%arg21 : memref<16xf32, #tpu.memory_space<vmem>>) dst(%arg6 : memref<16xf32, #tpu.memory_space<hbm>>)
        tpu.yield
      }) : () -> ()
    } else {
    }
    return
  }
}

module attributes {stable_mosaic.version = 14 : i64} {
  func.func @_tables_body(%arg0: memref<1x128xf32, #tpu.memory_space<vmem>>, %arg1: memref<1x128xf32, #tpu.memory_space<vmem>>, %arg2: memref<1x128xf32, #tpu.memory_space<vmem>>, %arg3: memref<32x128xf32, #tpu.memory_space<vmem>>, %arg4: memref<32x128xf32, #tpu.memory_space<vmem>>) attributes {dimension_semantics = [], scalar_prefetch = 0 : i64, scratch_operands = 0 : i64, tpu.core_type = #tpu.core_type<tc>} {
    %get3A = arith.constant 0 : index
    %get3A_0 = arith.constant 0 : index
    %get3A_1 = vector.load %arg0[%get3A, %get3A_0] : memref<1x128xf32, #tpu.memory_space<vmem>>, vector<1x128xf32>
    %get3A_2 = arith.constant 0 : index
    %get3A_3 = arith.constant 0 : index
    %get3A_4 = vector.load %arg1[%get3A_2, %get3A_3] : memref<1x128xf32, #tpu.memory_space<vmem>>, vector<1x128xf32>
    %get3A_5 = arith.constant 0 : index
    %get3A_6 = arith.constant 0 : index
    %get3A_7 = vector.load %arg2[%get3A_5, %get3A_6] : memref<1x128xf32, #tpu.memory_space<vmem>>, vector<1x128xf32>
    %iota3A = tpu.iota {dimensions = array<i32: 1>} : vector<1x128xi32>
    %roll3A = arith.constant 1 : i32
    %roll3A_8 = tpu.dynamic_rotate %get3A_1 by %roll3A dim 1 : vector<1x128xf32>, i32 -> vector<1x128xf32>
    %roll3A_9 = arith.constant 127 : i32
    %roll3A_10 = tpu.dynamic_rotate %get3A_1 by %roll3A_9 dim 1 : vector<1x128xf32>, i32 -> vector<1x128xf32>
    %eq3A = arith.constant 127 : i32
    %eq3A_11 = vector.broadcast %eq3A : i32 to vector<1x128xi32>
    %eq3A_12 = arith.cmpi eq, %iota3A, %eq3A_11 : vector<1x128xi32>
    %select_n3A = arith.select %eq3A_12, %get3A_1, %roll3A_10 : vector<1x128xi1>, vector<1x128xf32>
    %eq3A_13 = arith.constant 0 : i32
    %eq3A_14 = vector.broadcast %eq3A_13 : i32 to vector<1x128xi32>
    %eq3A_15 = arith.cmpi eq, %iota3A, %eq3A_14 : vector<1x128xi32>
    %select_n3A_16 = arith.select %eq3A_15, %get3A_1, %roll3A_8 : vector<1x128xi1>, vector<1x128xf32>
    %sub3A = arith.subf %select_n3A, %select_n3A_16 : vector<1x128xf32>
    %mul3A = arith.constant 5.000000e-01 : f32
    %mul3A_17 = vector.broadcast %mul3A : f32 to vector<1x128xf32>
    %mul3A_18 = arith.mulf %mul3A_17, %sub3A : vector<1x128xf32>
    %iota3A_19 = tpu.iota {dimensions = array<i32: 0>} : vector<32x128xi32>
    %convert_element_type3A = arith.sitofp %iota3A_19 : vector<32x128xi32> to vector<32x128xf32>
    %mul3A_20 = arith.constant 2.000000e+00 : f32
    %mul3A_21 = vector.broadcast %mul3A_20 : f32 to vector<32x128xf32>
    %mul3A_22 = arith.mulf %mul3A_21, %convert_element_type3A : vector<32x128xf32>
    %add3A = arith.constant 5.000000e-01 : f32
    %add3A_23 = vector.broadcast %add3A : f32 to vector<32x128xf32>
    %add3A_24 = arith.addf %mul3A_22, %add3A_23 : vector<32x128xf32>
    %mul3A_25 = arith.constant 3.125000e-01 : f32
    %mul3A_26 = vector.broadcast %mul3A_25 : f32 to vector<32x128xf32>
    %mul3A_27 = arith.mulf %add3A_24, %mul3A_26 : vector<32x128xf32>
    %add3A_28 = arith.constant -1.000000e+01 : f32
    %add3A_29 = vector.broadcast %add3A_28 : f32 to vector<32x128xf32>
    %add3A_30 = arith.addf %mul3A_27, %add3A_29 : vector<32x128xf32>
    %mul3A_31 = arith.constant 2.000000e+00 : f32
    %mul3A_32 = vector.broadcast %mul3A_31 : f32 to vector<32x128xf32>
    %mul3A_33 = arith.mulf %mul3A_32, %convert_element_type3A : vector<32x128xf32>
    %add3A_34 = arith.constant 1.500000e+00 : f32
    %add3A_35 = vector.broadcast %add3A_34 : f32 to vector<32x128xf32>
    %add3A_36 = arith.addf %mul3A_33, %add3A_35 : vector<32x128xf32>
    %mul3A_37 = arith.constant 3.125000e-01 : f32
    %mul3A_38 = vector.broadcast %mul3A_37 : f32 to vector<32x128xf32>
    %mul3A_39 = arith.mulf %add3A_36, %mul3A_38 : vector<32x128xf32>
    %add3A_40 = arith.constant -1.000000e+01 : f32
    %add3A_41 = vector.broadcast %add3A_40 : f32 to vector<32x128xf32>
    %add3A_42 = arith.addf %mul3A_39, %add3A_41 : vector<32x128xf32>
    %sub3A_43 = vector.broadcast %get3A_1 : vector<1x128xf32> to vector<32x128xf32>
    %sub3A_44 = arith.subf %sub3A_43, %add3A_30 : vector<32x128xf32>
    %sub3A_45 = vector.broadcast %get3A_1 : vector<1x128xf32> to vector<32x128xf32>
    %sub3A_46 = arith.subf %sub3A_45, %add3A_42 : vector<32x128xf32>
    %mul3A_47 = arith.constant -5.000000e-01 : f32
    %mul3A_48 = vector.broadcast %mul3A_47 : f32 to vector<32x128xf32>
    %mul3A_49 = arith.mulf %mul3A_48, %sub3A_44 : vector<32x128xf32>
    %mul3A_50 = arith.mulf %mul3A_49, %sub3A_44 : vector<32x128xf32>
    %exp3A = math.exp %mul3A_50 : vector<32x128xf32>
    %mul3A_51 = vector.broadcast %mul3A_18 : vector<1x128xf32> to vector<32x128xf32>
    %mul3A_52 = arith.mulf %mul3A_51, %exp3A : vector<32x128xf32>
    %mul3A_53 = arith.constant -5.000000e-01 : f32
    %mul3A_54 = vector.broadcast %mul3A_53 : f32 to vector<32x128xf32>
    %mul3A_55 = arith.mulf %mul3A_54, %sub3A_46 : vector<32x128xf32>
    %mul3A_56 = arith.mulf %mul3A_55, %sub3A_46 : vector<32x128xf32>
    %exp3A_57 = math.exp %mul3A_56 : vector<32x128xf32>
    %mul3A_58 = vector.broadcast %mul3A_18 : vector<1x128xf32> to vector<32x128xf32>
    %mul3A_59 = arith.mulf %mul3A_58, %exp3A_57 : vector<32x128xf32>
    %iota3A_60 = tpu.iota {dimensions = array<i32: 0>} : vector<64x128xi32>
    %convert_element_type3A_61 = arith.sitofp %iota3A_60 : vector<64x128xi32> to vector<64x128xf32>
    %add3A_62 = arith.constant 5.000000e-01 : f32
    %add3A_63 = vector.broadcast %add3A_62 : f32 to vector<64x128xf32>
    %add3A_64 = arith.addf %convert_element_type3A_61, %add3A_63 : vector<64x128xf32>
    %mul3A_65 = arith.constant 3.125000e-01 : f32
    %mul3A_66 = vector.broadcast %mul3A_65 : f32 to vector<64x128xf32>
    %mul3A_67 = arith.mulf %add3A_64, %mul3A_66 : vector<64x128xf32>
    %add3A_68 = arith.constant -1.000000e+01 : f32
    %add3A_69 = vector.broadcast %add3A_68 : f32 to vector<64x128xf32>
    %add3A_70 = arith.addf %mul3A_67, %add3A_69 : vector<64x128xf32>
    %mul3A_71 = vector.broadcast %get3A_1 : vector<1x128xf32> to vector<64x128xf32>
    %mul3A_72 = arith.mulf %add3A_70, %mul3A_71 : vector<64x128xf32>
    %cos3A = math.cos %mul3A_72 : vector<64x128xf32>
    %sin3A = math.sin %mul3A_72 : vector<64x128xf32>
    %mul3A_73 = vector.broadcast %get3A_4 : vector<1x128xf32> to vector<64x128xf32>
    %mul3A_74 = arith.mulf %mul3A_73, %cos3A : vector<64x128xf32>
    %mul3A_75 = vector.broadcast %get3A_7 : vector<1x128xf32> to vector<64x128xf32>
    %mul3A_76 = arith.mulf %mul3A_75, %sin3A : vector<64x128xf32>
    %add3A_77 = arith.addf %mul3A_74, %mul3A_76 : vector<64x128xf32>
    %mul3A_78 = vector.broadcast %get3A_7 : vector<1x128xf32> to vector<64x128xf32>
    %mul3A_79 = arith.mulf %mul3A_78, %cos3A : vector<64x128xf32>
    %mul3A_80 = vector.broadcast %get3A_4 : vector<1x128xf32> to vector<64x128xf32>
    %mul3A_81 = arith.mulf %mul3A_80, %sin3A : vector<64x128xf32>
    %sub3A_82 = arith.subf %mul3A_79, %mul3A_81 : vector<64x128xf32>
    %dot_general3A = arith.constant dense<0.000000e+00> : vector<32x64xf32>
    %dot_general3A_83 = tpu.matmul %mul3A_52, %add3A_77, %dot_general3A {dimension_numbers = #tpu.dot_dimension_numbers<[1], [1], [0], [0], [0, 0, 1, 0], [], []>, transpose_lhs_hint = false} : vector<32x128xf32>, vector<64x128xf32>, vector<32x64xf32> -> vector<32x64xf32>
    %dot_general3A_84 = arith.constant dense<0.000000e+00> : vector<32x64xf32>
    %dot_general3A_85 = tpu.matmul %mul3A_59, %add3A_77, %dot_general3A_84 {dimension_numbers = #tpu.dot_dimension_numbers<[1], [1], [0], [0], [0, 0, 1, 0], [], []>, transpose_lhs_hint = false} : vector<32x128xf32>, vector<64x128xf32>, vector<32x64xf32> -> vector<32x64xf32>
    %concatenate3A = tpu.concatenate %dot_general3A_83, %dot_general3A_85 in 1 : vector<32x64xf32>, vector<32x64xf32> -> vector<32x128xf32>
    %dot_general3A_86 = arith.constant dense<0.000000e+00> : vector<32x64xf32>
    %dot_general3A_87 = tpu.matmul %mul3A_52, %sub3A_82, %dot_general3A_86 {dimension_numbers = #tpu.dot_dimension_numbers<[1], [1], [0], [0], [0, 0, 1, 0], [], []>, transpose_lhs_hint = false} : vector<32x128xf32>, vector<64x128xf32>, vector<32x64xf32> -> vector<32x64xf32>
    %dot_general3A_88 = arith.constant dense<0.000000e+00> : vector<32x64xf32>
    %dot_general3A_89 = tpu.matmul %mul3A_59, %sub3A_82, %dot_general3A_88 {dimension_numbers = #tpu.dot_dimension_numbers<[1], [1], [0], [0], [0, 0, 1, 0], [], []>, transpose_lhs_hint = false} : vector<32x128xf32>, vector<64x128xf32>, vector<32x64xf32> -> vector<32x64xf32>
    %concatenate3A_90 = tpu.concatenate %dot_general3A_87, %dot_general3A_89 in 1 : vector<32x64xf32>, vector<32x64xf32> -> vector<32x128xf32>
    %iota3A_91 = tpu.iota {dimensions = array<i32: 0>} : vector<32x128xi32>
    %iota3A_92 = tpu.iota {dimensions = array<i32: 1>} : vector<32x128xi32>
    %mul3A_93 = arith.constant 2 : i32
    %mul3A_94 = vector.broadcast %mul3A_93 : i32 to vector<32x128xi32>
    %mul3A_95 = arith.muli %mul3A_94, %iota3A_91 : vector<32x128xi32>
    %shift_right_arithmetic3A = arith.constant 6 : i32
    %shift_right_arithmetic3A_96 = vector.broadcast %shift_right_arithmetic3A : i32 to vector<32x128xi32>
    %shift_right_arithmetic3A_97 = arith.shrsi %iota3A_92, %shift_right_arithmetic3A_96 : vector<32x128xi32>
    %add3A_98 = arith.addi %mul3A_95, %shift_right_arithmetic3A_97 : vector<32x128xi32>
    %convert_element_type3A_99 = arith.sitofp %add3A_98 : vector<32x128xi32> to vector<32x128xf32>
    %add3A_100 = arith.constant 5.000000e-01 : f32
    %add3A_101 = vector.broadcast %add3A_100 : f32 to vector<32x128xf32>
    %add3A_102 = arith.addf %convert_element_type3A_99, %add3A_101 : vector<32x128xf32>
    %mul3A_103 = arith.constant 3.125000e-01 : f32
    %mul3A_104 = vector.broadcast %mul3A_103 : f32 to vector<32x128xf32>
    %mul3A_105 = arith.mulf %add3A_102, %mul3A_104 : vector<32x128xf32>
    %add3A_106 = arith.constant -1.000000e+01 : f32
    %add3A_107 = vector.broadcast %add3A_106 : f32 to vector<32x128xf32>
    %add3A_108 = arith.addf %mul3A_105, %add3A_107 : vector<32x128xf32>
    %and3A = arith.constant 63 : i32
    %and3A_109 = vector.broadcast %and3A : i32 to vector<32x128xi32>
    %and3A_110 = arith.andi %iota3A_92, %and3A_109 : vector<32x128xi32>
    %convert_element_type3A_111 = arith.sitofp %and3A_110 : vector<32x128xi32> to vector<32x128xf32>
    %add3A_112 = arith.constant 5.000000e-01 : f32
    %add3A_113 = vector.broadcast %add3A_112 : f32 to vector<32x128xf32>
    %add3A_114 = arith.addf %convert_element_type3A_111, %add3A_113 : vector<32x128xf32>
    %mul3A_115 = arith.constant 3.125000e-01 : f32
    %mul3A_116 = vector.broadcast %mul3A_115 : f32 to vector<32x128xf32>
    %mul3A_117 = arith.mulf %add3A_114, %mul3A_116 : vector<32x128xf32>
    %add3A_118 = arith.constant -1.000000e+01 : f32
    %add3A_119 = vector.broadcast %add3A_118 : f32 to vector<32x128xf32>
    %add3A_120 = arith.addf %mul3A_117, %add3A_119 : vector<32x128xf32>
    %mul3A_121 = arith.mulf %add3A_108, %add3A_120 : vector<32x128xf32>
    %cos3A_122 = math.cos %mul3A_121 : vector<32x128xf32>
    %sin3A_123 = math.sin %mul3A_121 : vector<32x128xf32>
    %mul3A_124 = arith.mulf %concatenate3A, %concatenate3A : vector<32x128xf32>
    %mul3A_125 = arith.mulf %concatenate3A_90, %concatenate3A_90 : vector<32x128xf32>
    %add3A_126 = arith.addf %mul3A_124, %mul3A_125 : vector<32x128xf32>
    %mul3A_127 = arith.constant 0.564189613 : f32
    %mul3A_128 = vector.broadcast %mul3A_127 : f32 to vector<32x128xf32>
    %mul3A_129 = arith.mulf %mul3A_128, %add3A_126 : vector<32x128xf32>
    %swap3A = arith.constant 0 : index
    %swap3A_130 = arith.constant 0 : index
    %swap3A_131 = vector.load %arg3[%swap3A, %swap3A_130] : memref<32x128xf32, #tpu.memory_space<vmem>>, vector<32x128xf32>
    tpu.vector_store %arg3[%swap3A, %swap3A_130], %mul3A_129 {strides = array<i32>} : memref<32x128xf32, #tpu.memory_space<vmem>>, vector<32x128xf32>,
    %add3A_132 = arith.addf %cos3A_122, %sin3A_123 : vector<32x128xf32>
    %mul3A_133 = arith.mulf %concatenate3A, %add3A_132 : vector<32x128xf32>
    %sub3A_134 = arith.subf %cos3A_122, %sin3A_123 : vector<32x128xf32>
    %mul3A_135 = arith.mulf %concatenate3A_90, %sub3A_134 : vector<32x128xf32>
    %add3A_136 = arith.addf %mul3A_133, %mul3A_135 : vector<32x128xf32>
    %mul3A_137 = arith.constant 0.751125574 : f32
    %mul3A_138 = vector.broadcast %mul3A_137 : f32 to vector<32x128xf32>
    %mul3A_139 = arith.mulf %mul3A_138, %add3A_136 : vector<32x128xf32>
    %swap3A_140 = arith.constant 0 : index
    %swap3A_141 = arith.constant 0 : index
    %swap3A_142 = vector.load %arg4[%swap3A_140, %swap3A_141] : memref<32x128xf32, #tpu.memory_space<vmem>>, vector<32x128xf32>
    tpu.vector_store %arg4[%swap3A_140, %swap3A_141], %mul3A_139 {strides = array<i32>} : memref<32x128xf32, #tpu.memory_space<vmem>>, vector<32x128xf32>,
    return
  }
}

</mosaic_0001>

<sc_bundles>
// kernel: kernel.4.cloned.1.call-start
scs
__scs_entry_jumppad:
0x0: {  	(pc) =	sbr.rel $0x88, $3  }
0x1: {  	(tag) =	ssettag $0x0;
	lr =	simm.s32 $0x1  }
0x2: {  	[smem:$0x3F9C] =	sst lr;
	_ =	strace $0xD0000000  }
0x3: {  	_ = 	snop  }
0x4: {  	_ = 	snop  }
0x5: {  	_ = 	snop  }
0x6: {  	_ = 	snop  }
0x7: {  	_ = 	snop  }
__scs_overlays_trampoline_lowered:
0x8: {  	[smem:$0x3FAB] =	sst s0  }
0x9: {  	[smem:$0x3FAC] =	sst s1  }
0xa: {  	[smem:$0x3FAD] =	sst s2  }
0xb: {  	[smem:$0x3FAE] =	sst s3  }
0xc: {  	[smem:$0x3FAF] =	sst s4  }
0xd: {  	[smem:$0x3FB0] =	sst s5  }
0xe: {  	[smem:$0x3FB1] =	sst s6  }
0xf: {  	[smem:$0x3FB2] =	sst s7  }
0x10: {  	[smem:$0x3FB3] =	sst s8  }
0x11: {  	[smem:$0x3FB4] =	sst s9;
	s0 =	simm.s32 @!p0 $0x0  }
0x12: {  	s1 =	sld [smem:$0x3F9A];
	s0 =	simm.s32 @p0 $0x1  }
0x13: {  	[smem:$0x3FB5] =	sst s0;
	s0 =	simm.s32 @!p1 $0x0  }
0x14: {  	s2 =	sld [smem:$0x3F99];
	s0 =	simm.s32 @p1 $0x1  }
0x15: {  	[smem:$0x3FB6] =	sst s0;
	s0 =	simm.s32 @!p2 $0x0  }
0x16: {  	s3 =	sld [smem:$0x3FDB];
	s0 =	simm.s32 @p2 $0x1  }
0x17: {  	s4 =	simm.s32 $0x1BF5;
	[smem:$0x3FB8] =	sst s0  }
0x18: {  	s0 =	sld [smem:$0x3F9B];
	_ =	swait.ge [sflag:s4], $0x0  }
0x19: {  	s7 =	sld [smem:$0x3F9C]  }
0x1a: {  	s8 =	sadd.s32 $0xFFFFE003, lr  }
0x1b: {  	s9 =	sadd.s32 $0xFFFFFEF7, lr;
	s5 =	simm.s32 $0xFFFFFFFF;
	p2 =	slt.u32 s8, $0xFFFFF086  }
0x1c: {  	p1 =	slt.u32 s9, $0xF7A;
	s5 =	simm.s32 @!p2 $0x0  }
0x1d: {  	s5 =	simm.s32 @p1 $0x1;
	p0 =	seq.s32 s7, s2  }
0x1e: {  	s7 =	smul.u32 @!p0 $0xF7A, s2;
	p2 =	seq.s32 @!p0 s5, $0x0  }
0x1f: {  	s9 =	smul.u32 $0xF7A, s1;
	s8 =	simm.s32 @!p0 $0x1BF5;
	p2 =	por !p2, p0  }
0x20: {  	[sflag:s8] =	ssyncset.s32 @!p0 $0xFFFFF086;
	s6 =	sadd.s32 @!p0 s3, s7;
	s7 =	simm.s32 @!p0 $0x108  }
0x21: {  	s3 =	sadd.s32 s3, s9;
	s6 =	sadd.s32 @!p0 $0x88, s6;
	s7 =	simm.s32 @p2 $0x1082  }
0x22: {  	[simem:s7], [sflag:s8] =	dma.local @!p0 [hbm:s6], $0xF7A  }
0x23: {  	s9 =	sor.u32 $0xD0000000, s2;
	s6 =	simm.s32 $0x108;
	_ =	swait.ge @!p0 [sflag:s8], $0x0  }
0x24: {  	s3 =	sadd.s32 $0x88, s3;
	s6 =	simm.s32 @!p1 $0x1082;
	[sflag:s4] =	ssyncset.s32 $0xFFFFF086  }
0x25: {  	[simem:s6], [sflag:s4] =	dma.local [hbm:s3], $0xF7A  }
0x26: {  	[smem:$0x3F9C] =	sst s1;
	(tag) =	ssettag s2;
	_ =	strace s9  }
0x27: {  	s1 =	sld [smem:$0x3FAC]  }
0x28: {  	s2 =	sld [smem:$0x3FAD]  }
0x29: {  	s4 =	sld [smem:$0x3FAF]  }
0x2a: {  	p0 =	seq.s32 s5, $0x0;
	s5 =	sld [smem:$0x3FB0]  }
0x2b: {  	s6 =	sld [smem:$0x3FB1]  }
0x2c: {  	s7 =	sld [smem:$0x3FB2]  }
0x2d: {  	s3 =	simm.s32 $0x108;
	s8 =	sld [smem:$0x3FB3]  }
0x2e: {  	s3 =	simm.s32 @!p0 $0x1082;
	s9 =	sld [smem:$0x3FB4]  }
0x2f: {  	lr =	sadd.s32 s0, s3;
	s0 =	sld [smem:$0x3FAB]  }
0x30: {  	s3 =	sld [smem:$0x3FAE]  }
0x31: {  	[smem:$0x3FB7] =	sst s10  }
0x32: {  	s10 =	sld [smem:$0x3FB5];
	_ =	sdelay $0x3  }
0x33: {  	p0 =	seq.s32 s10, $0x1;
	s10 =	sld [smem:$0x3FB7];
	_ =	sdelay $0x3  }
0x34: {  	[smem:$0x3FB7] =	sst s10  }
0x35: {  	s10 =	sld [smem:$0x3FB6];
	_ =	sdelay $0x3  }
0x36: {  	p1 =	seq.s32 s10, $0x1;
	s10 =	sld [smem:$0x3FB7];
	_ =	sdelay $0x3  }
0x37: {  	[smem:$0x3FB7] =	sst s10  }
0x38: {  	s10 =	sld [smem:$0x3FB8]  }
0x39: {  	_ = 	snop;
	(pc) =	sbr.ind lr, $3  }
0x3a: {  	_ = 	snop  }
0x3b: {  	_ = 	snop  }
0x3c: {  	p2 =	seq.s32 s10, $0x1;
	s10 =	sld [smem:$0x3FB7]  }
0x3d: {  	_ =	shalt  }
0x3e: {  	_ =	shalt  }
0x3f: {  	_ =	shalt  }
0x40: {  	_ =	shalt  }
0x41: {  	_ =	shalt  }
0x42: {  	_ =	shalt  }
0x43: {  	_ =	shalt  }
0x44: {  	_ =	shalt  }
0x45: {  	_ =	shalt  }
0x46: {  	_ =	shalt  }
0x47: {  	_ =	shalt  }
0x48: {  	_ =	shalt  }
0x49: {  	_ =	shalt  }
0x4a: {  	_ =	shalt  }
0x4b: {  	_ =	shalt  }
0x4c: {  	_ =	shalt  }
0x4d: {  	_ =	shalt  }
0x4e: {  	_ =	shalt  }
0x4f: {  	_ =	shalt  }
0x50: {  	_ =	shalt  }
0x51: {  	_ =	shalt  }
0x52: {  	_ =	shalt  }
0x53: {  	_ =	shalt  }
0x54: {  	_ =	shalt  }
0x55: {  	_ =	shalt  }
0x56: {  	_ =	shalt  }
0x57: {  	_ =	shalt  }
0x58: {  	_ =	shalt  }
0x59: {  	_ =	shalt  }
0x5a: {  	_ =	shalt  }
0x5b: {  	_ =	shalt  }
0x5c: {  	_ =	shalt  }
0x5d: {  	_ =	shalt  }
0x5e: {  	_ =	shalt  }
0x5f: {  	_ =	shalt  }
0x60: {  	_ =	shalt  }
0x61: {  	_ =	shalt  }
0x62: {  	_ =	shalt  }
0x63: {  	_ =	shalt  }
0x64: {  	_ =	shalt  }
0x65: {  	_ =	shalt  }
0x66: {  	_ =	shalt  }
0x67: {  	_ =	shalt  }
0x68: {  	_ =	shalt  }
0x69: {  	_ =	shalt  }
0x6a: {  	_ =	shalt  }
0x6b: {  	_ =	shalt  }
0x6c: {  	_ =	shalt  }
0x6d: {  	_ =	shalt  }
0x6e: {  	_ =	shalt  }
0x6f: {  	_ =	shalt  }
0x70: {  	_ =	shalt  }
0x71: {  	_ =	shalt  }
0x72: {  	_ =	shalt  }
0x73: {  	_ =	shalt  }
0x74: {  	_ =	shalt  }
0x75: {  	_ =	shalt  }
0x76: {  	_ =	shalt  }
0x77: {  	_ =	shalt  }
0x78: {  	_ =	shalt  }
0x79: {  	_ =	shalt  }
0x7a: {  	_ =	shalt  }
0x7b: {  	_ =	shalt  }
0x7c: {  	_ =	shalt  }
0x7d: {  	_ =	shalt  }
0x7e: {  	_ =	shalt  }
0x7f: {  	_ =	shalt  }
0x80: {  	_ =	shalt  }
0x81: {  	_ =	shalt  }
0x82: {  	_ =	shalt  }
0x83: {  	_ =	shalt  }
0x84: {  	_ =	shalt  }
0x85: {  	_ =	shalt  }
0x86: {  	_ =	shalt  }
0x87: {  	_ =	shalt  }
.Lfunc_end0:
.L_simem_size_0:
called_computation_lowered:
.L_overlay_start_0:
0x88: {  	s0 =	sld [smem:$0x3FD9]  }
0x89: {  	s1 =	sld [smem:$0x3FFE];
	_ =	sdelay $0x3  }
0x8a: {  	s0 =	sadd.s32 s1, s0  }
0x8b: {  	[smem:$0x3FC3] =	sst s0  }
0x8c: {  	_ = 	snop  }
0x8d: {  	s0 =	sld [smem:$0x3FC9]  }
0x8e: {  	s16 =	sld [smem:$0x3FC8]  }
0x8f: {  	s2 =	sld [smem:$0x3FD0];
	(tm) =	ssettm $0x1  }
0x90: {  	s3 =	sld [smem:$0x3FFB];
	_ =	sdelay $0x3  }
0x91: {  	_ =	strace s3  }
0x92: {  	s3 =	sld [smem:$0x3FFC];
	_ =	sdelay $0x3  }
0x93: {  	_ =	strace s3  }
0x94: {  	s3 =	sld [smem:$0x3FFD];
	_ =	sdelay $0x3  }
0x95: {  	_ =	strace s3  }
0x96: {  	_ =	strace $0x8FFFFFFF  }
0x97: {  	s17 =	sld [smem:$0x3FDB];
	_ =	sdelay $0x1  }
0x98: {  	s4 =	simm.s32 $_scs_section_size  }
0x99: {  	s5 =	simm.s32 $_size__tile_overlayer_lowered;
	s6 =	simm.s32 $_tile_overlayer_lowered  }
0x9a: {  	s20 =	simm.s32 $0x1BFF;
	s19 =	sshll.u32 s6, $0x1;
	s3 =	sadd.s32 s4, s17  }
0x9b: {  	s7 =	simm.s32 $0x0;
	s18 =	sshll.u32 s5, $0x1;
	s5 =	sadd.s32 s19, s3  }
0x9c: {  	[timem:s7], [sflag:s20] =	dma.local [hbm:s5], s18  }
0x9d: {  	_ =	swait.ge [sflag:s20], s18  }
0x9e: {  	s4 =	ssub.s32 $0x0, s18;
	[sflag:s20] =	ssyncset.done $0x0  }
0x9f: {  	[sflag:s20] =	ssyncadd.s32 s4;
	_ =	sdelay $0x1  }
0xa0: {  	s21 =	simm.s32 $0x1B8B  }
0xa1: {  	_ =	swait.ge [sflag:s21], $0x1  }
0xa2: {  	[sflag:s21] =	ssyncset.done $0x0  }
0xa3: {  	s23 =	simm.s32 $0x1B8E;
	s22 =	sld [smem:$0x3FFE];
	[sflag:s21] =	ssyncadd.s32 $0xFFFFFFFF  }
0xa4: {  	s24 =	simm.s32 $execute0_lowered;
	[smem:$0x3FD2] =	sst s23  }
0xa5: {  	s5 =	sshll.u32 s24, $0x1;
	_ =	strace $0x80000046;
	[dreg:$0x1] =	wrdreg $0xFFFFFFFF  }
0xa6: {  	s25 =	simm.s32 $_size_execute0_lowered;
	s3 =	sadd.s32 s3, s5;
	[dreg:$0x0] =	wrdreg $0x0  }
0xa7: {  	s5 =	sshll.u32 s25, $0x1;
	[dreg:$0x2] =	wrdreg s3  }
0xa8: {  	[dreg:$0x3] =	wrdreg s5  }
0xa9: {  	[dreg:$0x4] =	wrdreg $0xC0  }
0xaa: {  	_ =	task [dreg:s7], $0x5FFFF  }
0xab: {  	[dreg:$0x1] =	wrdreg $0xFFFFFFFF  }
0xac: {  	[dreg:$0x0] =	wrdreg $0x60  }
0xad: {  	[dreg:$0x2] =	wrdreg s16  }
0xae: {  	[dreg:$0x3] =	wrdreg s0  }
0xaf: {  	[dreg:$0x4] =	wrdreg s22  }
0xb0: {  	[dreg:$0x5] =	wrdreg s2  }
0xb1: {  	[dreg:$0x6] =	wrdreg $0xE3800  }
0xb2: {  	[dreg:$0x7] =	wrdreg $0xE5880  }
0xb3: {  	[dreg:$0x8] =	wrdreg $0xE9880  }
0xb4: {  	[dreg:$0x9] =	wrdreg $0xE4800  }
0xb5: {  	[dreg:$0xa] =	wrdreg $0xE5800  }
0xb6: {  	[dreg:$0xb] =	wrdreg $0xE9980  }
0xb7: {  	[dreg:$0xc] =	wrdreg $0x9  }
0xb8: {  	_ =	task.clear_ibuf [dreg:s7], $0xDFFFF;
	_ =	strace $0x90000046  }
0xb9: {  	s26 =	simm.s32 $0x9;
	_ =	strace $0x80000048  }
0xba: {  	_ =	swait.ge [sflag:s26], $0x1  }
0xbb: {  	[sflag:s26] =	ssyncadd.s32 $0xFFFFFFFF  }
0xbc: {  	_ =	strace $0x90000048  }
0xbd: {  	_ =	sfence  }
0xbe: {  	s28 =	sld [smem:$0x0];
	_ =	sdelay $0x1  }
0xbf: {  	s29 =	srdreg.scid  }
0xc0: {  	s30 =	sshll.u32 s29, $0xD;
	s31 =	sshrl.u32 s29, $0x2  }
0xc1: {  	s1 =	sand.u32 $0x1, s29;
	s2 =	sand.u32 $0x4000, s30;
	s0 =	sadd.s32 s31, s28  }
0xc2: {  	s1 =	sor.u32 s2, s1;
	s0 =	sshll.u32 s0, $0x11  }
0xc3: {  	s0 =	sor.u32 s0, s1  }
0xc4: {  	s0 =	sadd.s32 $0x8F2B, s0  }
0xc5: {  	[sflag:s0] =	ssyncadd.remote.s32 $0x1  }
0xc6: {  	_ =	sfence.sel $0xFFFF  }
0xc7: {  	[dreg:$0x0] =	wrdreg $0xFFFFFFFF;
	(pc) =	sbr.abs _section_cstart, $3  }
0xc8: {  	[dreg:$0x1] =	wrdreg $0xFFFFFFFF  }
0xc9: {  	_ =	task.clear_ibuf [dreg:s7], $0x2FFFF;
	_ =	strace $0x9FFFFFFF  }
0xca: {  	(tm) =	ssettm $0x7FFFFFFF  }
0xcb: {  	_ =	shalt  }
tec
execute0_lowered:
.L_overlay_start_1:
0x0: {  	(tag) =	ssettag $0x1  }
0x1: {  	s11 =	rddreg [dreg:$0x0]  }
0x2: {  	s12 =	rddreg [dreg:$0x1]  }
0x3: {  	s13 =	rddreg [dreg:$0x2]  }
0x4: {  	s1 =	rddreg [dreg:$0x3]  }
0x5: {  	s7 =	rddreg [dreg:$0x4]  }
0x6: {  	s9 =	rddreg [dreg:$0x5]  }
0x7: {  	s2 =	rddreg [dreg:$0x6]  }
0x8: {  	s5 =	rddreg [dreg:$0x7]  }
0x9: {  	s4 =	rddreg [dreg:$0x8]  }
0xa: {  	s6 =	stileid.u32;
	s3 =	rddreg [dreg:$0x9]  }
0xb: {  	s0 =	rddreg [dreg:$0xa];
	s10 =	sshrl.u32 s6, $0x2;
	s8 =	sand.u32 $0x3, s6  }
0xc: {  	s16 =	simm.s32 $0x0;
	s14 =	sshll.u32 s10, $0x11;
	s15 =	sshll.u32 s8, $0xF  }
0xd: {  	s24 =	simm.s32 $0x80;
	s17 =	simm.s32 $0x200;
	s14 =	sor.u32 s15, s14  }
0xe: {  	[smem:$0x7FF] =	sst s16;
	s23 =	sshll.u32 s10, $0x7;
	s14 =	sshrl.u32 s14, $0x3  }
0xf: {  	_ =	strace $0x80000047;
	s11 =	sadd.s32 s11, s14;
	s14 =	sor.u32 s23, s15  }
0x10: {  	[tilespmem:s16], [sflag:$0x1] =	stream.strided.gather [hbm4b:s11+s24], $0x2000, s17, s24, $0x38;
	[tilespmem:$0xE9A0] =	vst v63  }
0x11: {  	s18 =	simm.s32 $0x2000;
	s11 =	sadd.s32 $0x10, s11;
	s14 =	sshrl.u32 s14, $0x3  }
0x12: {  	[tilespmem:s18], [sflag:$0x1] =	stream.strided.gather [hbm4b:s11+s24], $0x2000, s17, s24, $0x38;
	[tilespmem:$0xE9A0] =	vst v63  }
0x13: {  	s26 =	simm.s32 $0x4000;
	s25 =	sadd.s32 s12, s14  }
0x14: {  	[tilespmem:s26], [sflag:$0x1] =	stream.strided.gather [hbm4b:s25+s24], $0x2000, s17, s24, $0x38;
	[tilespmem:$0xE9A0] =	vst v63  }
0x15: {  	s29 =	simm.s32 $0xB010;
	s31 =	simm.s32 $0xC010;
	s28 =	sadd.s32 $0x1000, s13  }
0x16: {  	[tilespmem:s29], [sflag:$0x1] =	stream.linear.gather [hbm4b:s28+s16], $0x1000, $0x38;
	[tilespmem:$0xE9A0] =	vst v63  }
0x17: {  	s30 =	sadd.s32 $0x1200, s13;
	s12 =	simm.s32 $0x0;
	s11 =	simm.s32 $0x40  }
0x18: {  	v1 =	vimm.f32 $0.0e+00;
	[tilespmem:s31], [sflag:$0x1] =	stream.linear.gather [hbm4b:s30+s16], $0x1000, $0x38;
	[tilespmem:$0xE9A0] =	vst v63  }
.LBB2_1:
0x19: {  	p0 =	sne.s32 s11, $0x3FC0;
	[tilespmem:s12+$0x8000] =	vst v1;
	s13 =	smov.u32 s11;
	s11 =	sadd.s32 $0x40, s11  }
.Ltmp0:
0x1a: {  	[tilespmem:s12+$0x9000] =	vst v1;
	(pc) =	sbr.rel @p0 .LBB2_1-.Ltmp0, $2  }
0x1b: {  	_ =	sdelay $0x2  }
0x1c: {  	s12 =	sshra.s32 s13, $0x2  }
0x1d: {  	[tilespmem:s12+$0x8000] =	vst v1;
	v0 =	vlaneseq.u32;
	s15 =	simm.s32 $0x0  }
0x1e: {  	[tilespmem:s12+$0x9000] =	vst v1;
	s13 =	sshll.u32 s10, $0x8;
	s11 =	simm.s32 $0xE180;
	v1 =	vor.u32 $0x80, v0;
	v3 =	vor.u32 s15, v0  }
0x1f: {  	s12 =	simm.s32 $0xE200;
	v2 =	vor.u32 s13, v0;
	[tilespmem:s11+$0x0] =	vst v3;
	v4 =	vor.u32 s15, v1  }
0x20: {  	v3 =	vor.u32 s13, v1;
	s13 =	simm.s32 $0xE280;
	[tilespmem:s12+$0x0] =	vst v4;
	v4 =	vor.u32 s15, v2  }
0x21: {  	s14 =	simm.s32 $0xE300;
	[tilespmem:s13+$0x0] =	vst v4;
	v4 =	vor.u32 s15, v3;
	s15 =	simm.s32 $0x10  }
.LBB2_3:
0x22: {  	v5 =	vor.u32 s15, v0;
	[tilespmem:s14+$0x0] =	vst v4;
	s11 =	sadd.s32 $0x10, s11;
	p0 =	sne.s32 s15, $0x70  }
.Ltmp1:
0x23: {  	[tilespmem:s11+$0x0] =	vst v5;
	(pc) =	sbr.rel @p0 .LBB2_3-.Ltmp1, $4  }
0x24: {  	_ = 	snop  }
0x25: {  	v4 =	vor.u32 s15, v1;
	s12 =	sadd.s32 $0x10, s12  }
0x26: {  	s13 =	sadd.s32 $0x10, s13;
	[tilespmem:s12+$0x0] =	vst v4;
	v4 =	vor.u32 s15, v2  }
0x27: {  	s14 =	sadd.s32 $0x10, s14;
	[tilespmem:s13+$0x0] =	vst v4;
	v4 =	vor.u32 s15, v3;
	s15 =	sadd.s32 $0x10, s15  }
0x28: {  	p0 =	sne.s32 s6, $0x0  }
0x29: {  	[tilespmem:s14+$0x0] =	vst v4;
	s11 =	simm.s32 @!p0 $0x8000  }
0x2a: {  	[spmem:s7] =	stream.linear.scatter @!p0 [tilespmem:s11], [sflag:$0x2], $0x1000, $0x38;
	[tilespmem:$0xE9A0] =	vst v63  }
0x2b: {  	s11 =	simm.s32 @!p0 $0x2  }
0x2c: {  	_ =	swait.ge @!p0 [sflag:s11], $0x1000  }
0x2d: {  	[sflag:s11] =	ssyncset.done @!p0 $0x0  }
0x2e: {  	s12 =	simm.s32 @!p0 $0x9000;
	[sflag:s11] =	ssyncadd.s32 @!p0 $0xFFFFF000  }
0x2f: {  	[spmem:s9] =	stream.linear.scatter @!p0 [tilespmem:s12], [sflag:$0x2], $0x1000, $0x38;
	[tilespmem:$0xE9A0] =	vst v63  }
0x30: {  	_ =	swait.ge @!p0 [sflag:s11], $0x1000  }
0x31: {  	[sflag:s11] =	ssyncset.done @!p0 $0x0  }
0x32: {  	s13 =	sadd.s32 @!p0 $0x1000, s9;
	[sflag:s11] =	ssyncadd.s32 @!p0 $0xFFFFF000  }
0x33: {  	[spmem:s13] =	stream.linear.scatter @!p0 [tilespmem:s12], [sflag:$0x2], $0x1000, $0x38;
	[tilespmem:$0xE9A0] =	vst v63  }
0x34: {  	_ =	swait.ge @!p0 [sflag:s11], $0x1000  }
0x35: {  	[sflag:s11] =	ssyncset.done @!p0 $0x0  }
0x36: {  	s13 =	sadd.s32 @!p0 $0x2000, s9;
	[sflag:s11] =	ssyncadd.s32 @!p0 $0xFFFFF000  }
0x37: {  	[spmem:s13] =	stream.linear.scatter @!p0 [tilespmem:s12], [sflag:$0x2], $0x1000, $0x38;
	[tilespmem:$0xE9A0] =	vst v63  }
0x38: {  	_ =	swait.ge @!p0 [sflag:s11], $0x1000  }
0x39: {  	[sflag:s11] =	ssyncset.done @!p0 $0x0  }
0x3a: {  	s13 =	sadd.s32 @!p0 $0x3000, s9;
	[sflag:s11] =	ssyncadd.s32 @!p0 $0xFFFFF000  }
0x3b: {  	[spmem:s13] =	stream.linear.scatter @!p0 [tilespmem:s12], [sflag:$0x2], $0x1000, $0x38;
	[tilespmem:$0xE9A0] =	vst v63  }
0x3c: {  	_ =	swait.ge @!p0 [sflag:s11], $0x1000  }
0x3d: {  	[sflag:s11] =	ssyncset.done @!p0 $0x0  }
0x3e: {  	s15 =	simm.s32 $0x1;
	[sflag:s11] =	ssyncadd.s32 @!p0 $0xFFFFF000  }
0x3f: {  	_ =	swait.ge [sflag:s15], $0x2000  }
0x40: {  	[sflag:s15] =	ssyncset.done $0x0  }
0x41: {  	[sflag:s15] =	ssyncadd.s32 $0xFFFFE000  }
0x42: {  	_ =	swait.ge [sflag:s15], $0x2000  }
0x43: {  	[sflag:s15] =	ssyncset.done $0x0  }
0x44: {  	[sflag:s15] =	ssyncadd.s32 $0xFFFFE000  }
0x45: {  	_ =	swait.ge [sflag:s15], $0x2000  }
0x46: {  	[sflag:s15] =	ssyncset.done $0x0  }
0x47: {  	[sflag:s15] =	ssyncadd.s32 $0xFFFFE000  }
0x48: {  	_ =	swait.ge [sflag:s15], $0x1000  }
0x49: {  	[sflag:s15] =	ssyncset.done $0x0  }
0x4a: {  	[sflag:s15] =	ssyncadd.s32 $0xFFFFF000  }
0x4b: {  	_ =	swait.ge [sflag:s15], $0x1000  }
0x4c: {  	[sflag:s15] =	ssyncset.done $0x0  }
0x4d: {  	s16 =	simm.s32 $0x0;
	s17 =	simm.s32 $0x30;
	[sflag:s15] =	ssyncadd.s32 $0xFFFFF000  }
0x4e: {  	s18 =	sand.u32 $0x1F80, s16;
	s12 =	sand.u32 $0x70, s17;
	[bflag:$0x0] =	sbarrier.arrive $0xFFFF  }
0x4f: {  	s19 =	sor.u32 s18, s12;
	v0 =	vld [tilespmem:s16+$0x0]  }
0x50: {  	s20 =	simm.s32 $0x10;
	v2 =	vld [tilespmem:s19+$0x0]  }
0x51: {  	s21 =	simm.s32 $0x2000;
	s11 =	sand.u32 $0x50, s20;
	v3 =	vld [tilespmem:s19+$0x2000]  }
0x52: {  	s17 =	sor.u32 s18, s11;
	s15 =	simm.s32 $0x20;
	v4 =	vld [tilespmem:s21+$0x0]  }
0x53: {  	s22 =	sand.u32 $0x60, s15;
	v5 =	vld [tilespmem:s17+$0x0]  }
0x54: {  	s11 =	sor.u32 s18, s22;
	v8 =	vld [tilespmem:s17+$0x2000]  }
0x55: {  	v6 =	vld [tilespmem:s11+$0x0]  }
0x56: {  	v7 =	vld [tilespmem:s11+$0x2000]  }
0x57: {  	v9 =	vmul.f32 $3.200000050e+00, v0  }
0x58: {  	v4 =	vmul.f32 $3.200000050e+00, v4;
	v2 =	vmul.f32 $3.200000050e+00, v2  }
0x59: {  	v3 =	vmul.f32 $3.200000050e+00, v3;
	v5 =	vmul.f32 $3.200000050e+00, v5  }
0x5a: {  	v8 =	vmul.f32 $3.200000050e+00, v8;
	v6 =	vmul.f32 $3.200000050e+00, v6;
	v4 =	vadd.f32 $3.200000000e+01, v4  }
0x5b: {  	v7 =	vmul.f32 $3.200000050e+00, v7;
	v9 =	vadd.f32 $3.200000000e+01, v9;
	v5 =	vadd.f32 $3.200000000e+01, v5  }
0x5c: {  	v8 =	vadd.f32 $3.200000000e+01, v8;
	v2 =	vadd.f32 $3.200000000e+01, v2;
	v4 =	vtrunc.f32 v4  }
0x5d: {  	v3 =	vadd.f32 $3.200000000e+01, v3;
	v9 =	vtrunc.f32 v9;
	v5 =	vtrunc.f32 v5  }
0x5e: {  	v6 =	vadd.f32 $3.200000000e+01, v6;
	v8 =	vtrunc.f32 v8;
	v2 =	vtrunc.f32 v2  }
0x5f: {  	v7 =	vadd.f32 $3.200000000e+01, v7;
	v3 =	vtrunc.f32 v3;
	v4 =	vcvt.f32.s32 v4  }
0x60: {  	v6 =	vtrunc.f32 v6;
	v9 =	vcvt.f32.s32 v9  }
0x61: {  	v7 =	vtrunc.f32 v7;
	v5 =	vcvt.f32.s32 v5  }
0x62: {  	v1 =	vimm.f32 $0.0e+00;
	v2 =	vcvt.f32.s32 v2;
	v3 =	vcvt.f32.s32 v3  }
0x63: {  	s23 =	simm.s32 $0x40;
	v0 =	vimm.f32 $1.000000000e+00;
	v6 =	vcvt.f32.s32 v6;
	v7 =	vcvt.f32.s32 v7  }
0x64: {  	s24 =	simm.s32 $0x70;
	v11 =	vld [tilespmem:s23+$0x0];
	vm0 =	vgt.s32 v4, $0x0;
	vm1 =	vgt.s32 v9, $0x0;
	vm2 =	vgt.s32 v5, $0x0  }
0x65: {  	s25 =	sand.u32 $0x1F80, s23;
	s14 =	sand.u32 $0x70, s24;
	v19 =	vld [tilespmem:s19+$0x4000];
	vm12 =	vgt.s32 v2, $0x0;
	vm13 =	vgt.s32 v3, $0x0;
	vm10 =	vgt.s32 v6, $0x0  }
0x66: {  	s29 =	simm.s32 $0x60;
	s21 =	sor.u32 s25, s14;
	v10 =	vld [tilespmem:s11+$0x4000];
	vm11 =	vgt.s32 v7, $0x0;
	v5 =	vnsel vm2, $0x0, v5;
	v2 =	vnsel vm12, $0x0, v2  }
0x67: {  	s14 =	sand.u32 $0x60, s29;
	v12 =	vld [tilespmem:s21+$0x0];
	v3 =	vnsel vm13, $0x0, v3;
	v6 =	vnsel vm10, $0x0, v6;
	v7 =	vnsel vm11, $0x0, v7  }
0x68: {  	v13 =	vld [tilespmem:s21+$0x2000];
	s16 =	sor.u32 s25, s14;
	v2 =	vmin.u32 v2, $0x3F;
	v3 =	vmin.u32 v3, $0x3F;
	v6 =	vmin.u32 v6, $0x3F  }
0x69: {  	s26 =	simm.s32 $0x50;
	s28 =	simm.s32 $0x2040;
	v16 =	vld [tilespmem:s16+$0x0];
	v7 =	vmin.u32 v7, $0x3F;
	v2 =	vshll.u32 v2, $0x6;
	v6 =	vshll.u32 v6, $0x6  }
0x6a: {  	s11 =	sand.u32 $0x50, s26;
	v5 =	vmin.u32 v5, $0x3F;
	v3 =	vor.u32 v3, v2;
	v14 =	vor.u32 v7, v6;
	v6 =	vld [tilespmem:s28+$0x0]  }
0x6b: {  	s11 =	sor.u32 s25, s11;
	v9 =	vnsel vm1, $0x0, v9;
	v15 =	vshll.u32 v5, $0x6;
	v5 =	vmul.f32 $3.200000050e+00, v11;
	v11 =	vld [tilespmem:s16+$0x2000]  }
0x6c: {  	s18 =	simm.s32 $0x6020;
	v8 =	vcvt.f32.s32 v8;
	v4 =	vnsel vm0, $0x0, v4;
	v7 =	vmin.u32 v9, $0x3F;
	v9 =	vld [tilespmem:s11+$0x0]  }
0x6d: {  	v17 =	vld [tilespmem:s11+$0x2000];
	v12 =	vmul.f32 $3.200000050e+00, v12;
	v4 =	vmin.u32 v4, $0x3F;
	[tilespmem:s18+$0x10] =	vst v3;
	v7 =	vshll.u32 v7, $0x6  }
0x6e: {  	s12 =	simm.s32 $0x8000;
	vm14 =	vgt.s32 v8, $0x0;
	[tilespmem:s18+$0x0] =	vst v14;
	v7 =	vor.u32 v4, v7;
	v4 =	vmul.f32 $3.200000050e+00, v16  }
0x6f: {  	s30 =	simm.s32 $0x4000;
	v8 =	vnsel vm14, $0x0, v8;
	v18 =	vadd.f32 $3.200000000e+01, v5;
	[tilespmem:v3+s12+$0x0] =	vst.idx.msk $0xffff, v0;
	v2 =	vmul.f32 $3.200000050e+00, v6  }
0x70: {  	s13 =	simm.s32 $0x9000;
	v5 =	vadd.f32 $3.200000000e+01, v12;
	v16 =	vld [tilespmem:s30+$0x0];
	v4 =	vadd.f32 $3.200000000e+01, v4;
	v6 =	vmul.f32 $3.200000050e+00, v13;
	[tilespmem:v14+s12+$0x0] =	vst.idx.msk $0xffff, v0  }
0x71: {  	v9 =	vmul.f32 $3.200000050e+00, v9;
	[tilespmem:v14+s13+$0x0] =	vst.idx.add.f32.msk $0xffff, v10;
	v10 =	vmul.f32 $3.200000050e+00, v11;
	v12 =	vadd.f32 $3.200000000e+01, v2  }
0x72: {  	s14 =	simm.s32 $0xB010;
	v8 =	vmin.u32 v8, $0x3F;
	[tilespmem:v3+s13+$0x0] =	vst.idx.add.f32.msk $0xffff, v19;
	v11 =	vmul.f32 $3.200000050e+00, v17;
	v4 =	vtrunc.f32 v4  }
0x73: {  	s20 =	sshll.u32 s10, $0x4;
	v2 =	vld.idx.msk [tilespmem:v14+s14+$0x0], $0xffff;
	v14 =	vtrunc.f32 v18;
	v9 =	vadd.f32 $3.200000000e+01, v9;
	v12 =	vtrunc.f32 v12  }
0x74: {  	s31 =	sshll.u32 s6, $0x4;
	s6 =	sadd.s32 s20, s3;
	[tilespmem:s18+$0xFFFFFFE0] =	vst v7;
	v3 =	vld.idx.msk [tilespmem:v3+s14+$0x0], $0xffff;
	v17 =	vadd.f32 $3.200000000e+01, v10;
	v63 =	vadd.f32 $3.200000000e+01, v11;
	v62 =	vcvt.f32.s32 v12  }
0x75: {  	s20 =	simm.s32 $0x4;
	s15 =	sadd.s32 s31, s2;
	s19 =	sshll.u32 s10, $0xC;
	[tilespmem:v7+s12+$0x0] =	vst.idx.msk $0xffff, v0;
	v10 =	vld [tilespmem:s17+$0x4000];
	v11 =	vcvt.f32.s32 v14;
	v13 =	vtrunc.f32 v9;
	v9 =	vor.u32 v8, v15  }
0x76: {  	s22 =	simm.s32 $0x2080;
	s23 =	simm.s32 $0x80;
	s10 =	sadd.s32 s19, s9;
	[tilespmem:v7+s13+$0x0] =	vst.idx.add.f32.msk $0xffff, v16;
	v12 =	vcvt.f32.s32 v4;
	v14 =	vtrunc.f32 v17;
	vm15 =	vgt.s32 v62, $0x0  }
0x77: {  	s19 =	simm.s32 $0x4040;
	s17 =	simm.s32 $0x6060;
	v4 =	vld [tilespmem:s21+$0x4000];
	v8 =	vtrunc.f32 v63;
	s21 =	simm.s32 $0x80;
	v14 =	vcvt.f32.s32 v14;
	v15 =	vnsel vm15, $0x0, v62  }
.LBB2_5:
0x78: {  	s24 =	sadd.s32 $0x10, s21;
	s26 =	sadd.s32 $0x20, s21;
	s25 =	sadd.s32 $0x30, s21;
	v15 =	vmin.u32 v15, $0x3F;
	v13 =	vcvt.f32.s32 v13;
	vm0 =	vgt.s32 v12, $0x0;
	v7 =	vld.idx.msk [tilespmem:v7+s14+$0x0], $0xffff  }
0x79: {  	s28 =	sand.u32 $0x1F80, s21;
	vm1 =	vgt.s32 v11, $0x0;
	s24 =	sand.u32 $0x50, s24;
	s29 =	sand.u32 $0x70, s25;
	v16 =	vld [tilespmem:s16+$0x4000];
	v12 =	vnsel vm0, $0x0, v12;
	vm0 =	vgt.s32 v14, $0x0;
	[tilespmem:s18+$0xFFFFFFF0] =	vst v9  }
0x7a: {  	s16 =	sand.u32 $0x60, s26;
	v17 =	vld [tilespmem:s23+$0x0];
	s25 =	sor.u32 s28, s24;
	s24 =	sor.u32 s28, s29;
	vm2 =	vgt.s32 v13, $0x0;
	v12 =	vmin.u32 v12, $0x3F;
	v14 =	vnsel vm0, $0x0, v14;
	[tilespmem:v9+s12+$0x0] =	vst.idx.msk $0xffff, v0  }
0x7b: {  	s20 =	sadd.s32 $0x4, s20;
	v6 =	vadd.f32 $3.200000000e+01, v6;
	s18 =	smov.u32 s17;
	s16 =	sor.u32 s28, s16;
	v14 =	vmin.u32 v14, $0x3F;
	v12 =	vshll.u32 v12, $0x6;
	[tilespmem:v9+s13+$0x0] =	vst.idx.add.f32.msk $0xffff, v10  }
0x7c: {  	v5 =	vtrunc.f32 v5;
	p1 =	slt.u32 s20, $0x1FC;
	v10 =	vnsel vm1, $0x0, v11;
	v11 =	vor.u32 v14, v12;
	v9 =	vld.idx.msk [tilespmem:v9+s14+$0x0], $0xffff  }
0x7d: {  	v5 =	vcvt.f32.s32 v5;
	v6 =	vtrunc.f32 v6;
	v13 =	vnsel vm2, $0x0, v13;
	v12 =	vld [tilespmem:s24+$0x0]  }
0x7e: {  	v6 =	vcvt.f32.s32 v6;
	v13 =	vmin.u32 v13, $0x3F;
	v14 =	vld [tilespmem:s24+$0x2000]  }
0x7f: {  	vm0 =	vgt.s32 v5, $0x0;
	v10 =	vmin.u32 v10, $0x3F;
	v19 =	vshll.u32 v13, $0x6;
	v18 =	vld [tilespmem:s22+$0x0]  }
0x80: {  	v5 =	vnsel vm0, $0x0, v5;
	vm0 =	vgt.s32 v6, $0x0;
	v13 =	vmul.f32 $3.200000050e+00, v17;
	v17 =	vld [tilespmem:s25+$0x0];
	[tilespmem:s17+$0x0] =	vst v11  }
0x81: {  	v5 =	vmin.u32 v5, $0x3F;
	v1 =	vadd.f32 v7, v1;
	v6 =	vnsel vm0, $0x0, v6;
	v20 =	vld [tilespmem:s16+$0x0];
	[tilespmem:v11+s12+$0x0] =	vst.idx.msk $0xffff, v0  }
0x82: {  	v5 =	vshll.u32 v5, $0x6;
	v21 =	vld [tilespmem:s16+$0x2000];
	v7 =	vmul.f32 $3.200000050e+00, v12;
	v12 =	vmin.u32 v6, $0x3F  }
0x83: {  	v13 =	vadd.f32 $3.200000000e+01, v13;
	v22 =	vld [tilespmem:s25+$0x2000];
	v6 =	vmul.f32 $3.200000050e+00, v14;
	v12 =	vor.u32 v12, v5  }
0x84: {  	v10 =	vshll.u32 v10, $0x6;
	v1 =	vadd.f32 v9, v1;
	v14 =	vmul.f32 $3.200000050e+00, v18;
	[tilespmem:s17+$0x10] =	vst v12  }
0x85: {  	v8 =	vcvt.f32.s32 v8;
	v5 =	vadd.f32 $3.200000000e+01, v7;
	v9 =	vmul.f32 $3.200000050e+00, v17;
	[tilespmem:v11+s13+$0x0] =	vst.idx.add.f32.msk $0xffff, v16  }
0x86: {  	v1 =	vadd.f32 v2, v1;
	v7 =	vor.u32 v15, v10;
	v14 =	vadd.f32 $3.200000000e+01, v14;
	v2 =	vld.idx.msk [tilespmem:v11+s14+$0x0], $0xffff  }
0x87: {  	vm0 =	vgt.s32 v8, $0x0;
	v10 =	vmul.f32 $3.200000050e+00, v20;
	v11 =	vmul.f32 $3.200000050e+00, v21  }
0x88: {  	v8 =	vnsel vm0, $0x0, v8;
	v1 =	vadd.f32 v3, v1;
	v15 =	vmul.f32 $3.200000050e+00, v22;
	v16 =	vld [tilespmem:s19+$0x0];
	[tilespmem:v12+s12+$0x0] =	vst.idx.msk $0xffff, v0;
	s19 =	sadd.s32 $0x40, s19  }
0x89: {  	v17 =	vtrunc.f32 v13;
	v9 =	vadd.f32 $3.200000000e+01, v9;
	v10 =	vadd.f32 $3.200000000e+01, v10;
	[tilespmem:v12+s13+$0x0] =	vst.idx.add.f32.msk $0xffff, v4  }
.Ltmp2:
0x8a: {  	v8 =	vmin.u32 v8, $0x3F;
	v4 =	vtrunc.f32 v14;
	v14 =	vadd.f32 $3.200000000e+01, v11;
	v3 =	vld.idx.msk [tilespmem:v12+s14+$0x0], $0xffff;
	(pc) =	sbr.rel @p1 .LBB2_5-.Ltmp2, $4  }
0x8b: {  	s17 =	sadd.s32 $0x40, s17;
	v18 =	vcvt.f32.s32 v4;
	v20 =	vadd.f32 $3.200000000e+01, v15;
	v4 =	vtrunc.f32 v10;
	[tilespmem:s18+$0xFFFFFFE0] =	vst v7  }
0x8c: {  	v13 =	vtrunc.f32 v9;
	v9 =	vor.u32 v8, v19;
	v12 =	vcvt.f32.s32 v4;
	[tilespmem:v7+s12+$0x0] =	vst.idx.msk $0xffff, v0;
	v10 =	vld [tilespmem:s11+$0x4000];
	s11 =	smov.u32 s25  }
0x8d: {  	v11 =	vcvt.f32.s32 v17;
	v14 =	vtrunc.f32 v14;
	vm0 =	vgt.s32 v18, $0x0;
	v4 =	vld [tilespmem:s24+$0x4000]  }
0x8e: {  	s21 =	sadd.s32 $0x40, s21;
	s23 =	sadd.s32 $0x40, s23;
	s22 =	sadd.s32 $0x40, s22;
	v8 =	vtrunc.f32 v20;
	v14 =	vcvt.f32.s32 v14;
	v15 =	vnsel vm0, $0x0, v18;
	[tilespmem:v7+s13+$0x0] =	vst.idx.add.f32.msk $0xffff, v16  }
0x8f: {  	v15 =	vmin.u32 v15, $0x3F  }
0x90: {  	v13 =	vcvt.f32.s32 v13;
	vm0 =	vgt.s32 v12, $0x0;
	vm2 =	vgt.s32 v11, $0x0  }
0x91: {  	v6 =	vadd.f32 $3.200000000e+01, v6;
	v8 =	vcvt.f32.s32 v8;
	v5 =	vtrunc.f32 v5  }
0x92: {  	vm1 =	vgt.s32 v14, $0x0;
	v12 =	vnsel vm0, $0x0, v12;
	v11 =	vnsel vm2, $0x0, v11  }
0x93: {  	v5 =	vcvt.f32.s32 v5;
	v14 =	vnsel vm1, $0x0, v14;
	vm12 =	vgt.s32 v13, $0x0  }
0x94: {  	v7 =	vld.idx.msk [tilespmem:v7+s14+$0x0], $0xffff;
	v12 =	vmin.u32 v12, $0x3F;
	v11 =	vmin.u32 v11, $0x3F;
	vm13 =	vgt.s32 v8, $0x0  }
0x95: {  	[tilespmem:s18+$0xFFFFFFF0] =	vst v9;
	v54 =	vld [tilespmem:s16+$0x4000];
	v6 =	vtrunc.f32 v6;
	v14 =	vmin.u32 v14, $0x3F;
	v12 =	vshll.u32 v12, $0x6  }
0x96: {  	v57 =	vld [tilespmem:s19+$0x0];
	[tilespmem:v9+s12+$0x0] =	vst.idx.msk $0xffff, v0;
	v13 =	vnsel vm12, $0x0, v13;
	v11 =	vshll.u32 v11, $0x6;
	v12 =	vor.u32 v14, v12  }
0x97: {  	[tilespmem:v9+s13+$0x0] =	vst.idx.add.f32.msk $0xffff, v10;
	v8 =	vnsel vm13, $0x0, v8;
	v55 =	vor.u32 v15, v11;
	v56 =	vmin.u32 v13, $0x3F  }
0x98: {  	v9 =	vld.idx.msk [tilespmem:v9+s14+$0x0], $0xffff;
	v6 =	vcvt.f32.s32 v6;
	v8 =	vmin.u32 v8, $0x3F;
	v11 =	vshll.u32 v56, $0x6;
	[tilespmem:s17+$0x0] =	vst v12  }
0x99: {  	vm14 =	vgt.s32 v5, $0x0;
	[tilespmem:s17+$0xFFFFFFE0] =	vst v55;
	v8 =	vor.u32 v8, v11  }
0x9a: {  	v58 =	vld [tilespmem:s11+$0x4000];
	v5 =	vnsel vm14, $0x0, v5;
	vm15 =	vgt.s32 v6, $0x0;
	[tilespmem:s17+$0xFFFFFFF0] =	vst v8  }
0x9b: {  	v5 =	vmin.u32 v5, $0x3F;
	v1 =	vadd.f32 v7, v1;
	v6 =	vnsel vm15, $0x0, v6;
	[tilespmem:v12+s12+$0x0] =	vst.idx.msk $0xffff, v0  }
0x9c: {  	v5 =	vshll.u32 v5, $0x6;
	v6 =	vmin.u32 v6, $0x3F;
	[tilespmem:v55+s12+$0x0] =	vst.idx.msk $0xffff, v0  }
0x9d: {  	v5 =	vor.u32 v6, v5;
	v1 =	vadd.f32 v9, v1;
	[tilespmem:v55+s13+$0x0] =	vst.idx.add.f32.msk $0xffff, v57  }
0x9e: {  	v59 =	vld.idx.msk [tilespmem:v55+s14+$0x0], $0xffff;
	[tilespmem:v8+s12+$0x0] =	vst.idx.msk $0xffff, v0  }
0x9f: {  	v1 =	vadd.f32 v2, v1;
	[tilespmem:v8+s13+$0x0] =	vst.idx.add.f32.msk $0xffff, v58  }
0xa0: {  	[tilespmem:s17+$0x10] =	vst v5;
	v60 =	vld.idx.msk [tilespmem:v8+s14+$0x0], $0xffff  }
0xa1: {  	[tilespmem:v12+s13+$0x0] =	vst.idx.add.f32.msk $0xffff, v54;
	v1 =	vadd.f32 v3, v1  }
0xa2: {  	v61 =	vld.idx.msk [tilespmem:v12+s14+$0x0], $0xffff;
	[tilespmem:v5+s12+$0x0] =	vst.idx.msk $0xffff, v0  }
0xa3: {  	[tilespmem:v5+s13+$0x0] =	vst.idx.add.f32.msk $0xffff, v4;
	v62 =	vadd.f32 v59, v1  }
0xa4: {  	v63 =	vld.idx.msk [tilespmem:v5+s14+$0x0], $0xffff  }
0xa5: {  	v0 =	vadd.f32 v60, v62;
	_ =	sdelay $0x1  }
0xa6: {  	v0 =	vadd.f32 v61, v0;
	_ =	sdelay $0x1  }
0xa7: {  	v0 =	vadd.f32 v63, v0;
	_ =	sdelay $0x1  }
0xa8: {  	s21 =	simm.s32 $0xE160;
	s11 =	simm.s32 $0x2;
	[tilespmem:$0xE160] =	vst v0  }
0xa9: {  	[spmem:s15] =	stream.linear.scatter [tilespmem:s21], [sflag:$0x2], $0x10, $0x38;
	[tilespmem:$0xE9A0] =	vst v63  }
0xaa: {  	_ =	swait.ge [sflag:s11], $0x10  }
0xab: {  	s22 =	simm.s32 $0x80;
	[sflag:s11] =	ssyncset.done $0x0  }
0xac: {  	s23 =	simm.s32 $0xE180;
	s24 =	simm.s32 $0x8000;
	[sflag:s11] =	ssyncadd.s32 $0xFFFFFFF0  }
0xad: {  	[spmem:s7] =	stream.indirect.scatter.add.f32 [tilespmem:s24], [sflag:$0x2], $0x10, s23, s22, $0xb8;
	[tilespmem:$0xE9A0] =	vst v63  }
0xae: {  	_ =	swait.ge [sflag:s11], $0x800  }
0xaf: {  	[sflag:s11] =	ssyncset.done $0x0  }
0xb0: {  	s25 =	simm.s32 $0xE200;
	s26 =	simm.s32 $0x8800;
	[sflag:s11] =	ssyncadd.s32 $0xFFFFF800  }
0xb1: {  	[spmem:s7] =	stream.indirect.scatter.add.f32 [tilespmem:s26], [sflag:$0x2], $0x10, s25, s22, $0xb8;
	[tilespmem:$0xE9A0] =	vst v63  }
0xb2: {  	_ =	swait.ge [sflag:s11], $0x800  }
0xb3: {  	[sflag:s11] =	ssyncset.done $0x0  }
0xb4: {  	s28 =	simm.s32 $0xE280;
	s29 =	simm.s32 $0x9000;
	[sflag:s11] =	ssyncadd.s32 $0xFFFFF800  }
0xb5: {  	[spmem:s9] =	stream.indirect.scatter.add.f32 [tilespmem:s29], [sflag:$0x2], $0x10, s28, s22, $0xb8;
	[tilespmem:$0xE9A0] =	vst v63  }
0xb6: {  	_ =	swait.ge [sflag:s11], $0x800  }
0xb7: {  	[sflag:s11] =	ssyncset.done $0x0  }
0xb8: {  	s30 =	simm.s32 $0xE300;
	s31 =	simm.s32 $0x9800;
	[sflag:s11] =	ssyncadd.s32 $0xFFFFF800  }
0xb9: {  	[spmem:s9] =	stream.indirect.scatter.add.f32 [tilespmem:s31], [sflag:$0x2], $0x10, s30, s22, $0xb8;
	[tilespmem:$0xE9A0] =	vst v63  }
.Ltmp3:
0xba: {  	_ =	swait.ge [sflag:s11], $0x800;
	(pc) =	sbr.rel @!p0 .LBB2_7-.Ltmp3, $3  }
0xbb: {  	[sflag:s11] =	ssyncset.done $0x0  }
0xbc: {  	[sflag:s11] =	ssyncadd.s32 $0xFFFFF800  }
0xbd: {  	[bflag:$0x0] =	sbarrier.arrive $0xFFFF;
	_ =	sdelay $0x1  }
0xbe: {  	p1 =	seq.s32 s8, $0x0  }
.Ltmp4:
0xbf: {  	_ = 	snop;
	(pc) =	sbr.rel @p1 .LBB2_10-.Ltmp4, $2  }
0xc0: {  	_ =	sdelay $0x1  }
0xc1: {  	[bflag:$0x0] =	sbarrier.arrive $0xFFFF;
	_ =	sdelay $0x1  }
.Ltmp5:
0xc2: {  	(pc) =	sbr.rel .LBB2_16-.Ltmp5, $2  }
0xc3: {  	_ =	sdelay $0x1  }
0xc4: {  	[bflag:$0x0] =	sbarrier.arrive $0xFFFF;
	_ =	sdelay $0x1  }
.LBB2_7:
0xc5: {  	s8 =	simm.s32 $0xD010  }
0xc6: {  	[tilespmem:s8], [sflag:$0x2] =	stream.linear.gather [spmem:s7], $0x1000, $0x38;
	[tilespmem:$0xE9A0] =	vst v63  }
0xc7: {  	_ =	swait.ge [sflag:s11], $0x1000  }
0xc8: {  	[sflag:s11] =	ssyncset.done $0x0  }
0xc9: {  	[sflag:s11] =	ssyncadd.s32 $0xFFFFF000  }
0xca: {  	v1 =	vld [tilespmem:s8+$0x0];
	_ =	sdelay $0x4  }
0xcb: {  	v0 =	vimm.s32 $0x0;
	vm0 =	vgt.f32 v1, $0.0e+00  }
0xcc: {  	v1 =	vsel vm0, $0x1, v0  }
0xcd: {  	(xrf0) =	vadd.scan.msk.s32 $0xffff, v1;
	_ =	sdelay $0x4  }
0xce: {  	s8 =	simm.s32 $0x0;
	v1 =	vsel vm0, $0xFFFFFFFF, v0  }
0xcf: {  	v1 =	vadd.s32 s8, v1;
	v2, _, _ =	vpop (xrf0)  }
0xd0: {  	v1 =	vadd.s32 v2, v1;
	(v2sf) =	vpush v2, $0xF  }
0xd1: {  	v3 =	vnsel vm0, $0x1000, v1;
	_ =	sdelay $0x2  }
0xd2: {  	v1 =	vlaneseq.u32  }
0xd3: {  	s7 =	simm.s32 $0xA000;
	v4 =	vor.u32 s8, v1  }
0xd4: {  	s11 =	simm.s32 $0xD020;
	[tilespmem:v3+s7+$0x0] =	vst.idx.msk $0xffff, v4  }
0xd5: {  	s9 =	simm.s32 $0x10;
	s12 =	simm.s32 $0x20;
	v2 =	vld [tilespmem:s11+$0x0]  }
.LBB2_8:
0xd6: {  	p1 =	sne.s32 s12, $0xFF0;
	_ =	sdelay $0x3  }
0xd7: {  	vm0 =	vgt.f32 v2, $0.0e+00  }
0xd8: {  	v2 =	vsel vm0, $0xFFFFFFFF, v0;
	v3 =	vsel vm0, $0x1, v0  }
0xd9: {  	(xrf0) =	vadd.scan.msk.s32 $0xffff, v3  }
0xda: {  	s13 =	spop (v2sf)  }
0xdb: {  	s8 =	sadd.s32 s8, s13  }
0xdc: {  	v2 =	vadd.s32 s8, v2;
	_ =	sdelay $0x2  }
0xdd: {  	v3, _, _ =	vpop (xrf0)  }
0xde: {  	v2 =	vadd.s32 v3, v2;
	(v2sf) =	vpush v3, $0xF  }
0xdf: {  	v2 =	vnsel vm0, $0x1000, v2;
	_ =	sdelay $0x1  }
.Ltmp6:
0xe0: {  	(pc) =	sbr.rel @p1 .LBB2_8-.Ltmp6, $4  }
0xe1: {  	_ = 	snop  }
0xe2: {  	v3 =	vor.u32 s9, v1;
	s9 =	smov.u32 s12  }
0xe3: {  	s11 =	sadd.s32 $0x10, s11;
	[tilespmem:v2+s7+$0x0] =	vst.idx.msk $0xffff, v3  }
0xe4: {  	s12 =	sadd.s32 $0x10, s12;
	v2 =	vld [tilespmem:s11+$0x0]  }
0xe5: {  	_ =	sdelay $0x3  }
0xe6: {  	vm0 =	vgt.f32 v2, $0.0e+00  }
0xe7: {  	v2 =	vsel vm0, $0x1, v0  }
0xe8: {  	(xrf0) =	vadd.scan.msk.s32 $0xffff, v2;
	_ =	sdelay $0x5  }
0xe9: {  	v2, _, _ =	vpop (xrf0)  }
0xea: {  	(v2sf) =	vpush v2, $0xF;
	_ =	sdelay $0x7  }
0xeb: {  	s11 =	spop (v2sf)  }
0xec: {  	v62 =	vsel vm0, $0xFFFFFFFF, v0;
	s8 =	sadd.s32 s8, s11  }
0xed: {  	v0 =	vadd.s32 s8, v62  }
0xee: {  	v0 =	vadd.s32 v2, v0  }
0xef: {  	v0 =	vnsel vm0, $0x1000, v0;
	_ =	sdelay $0x2  }
0xf0: {  	s28 =	spop (v2sf)  }
0xf1: {  	v1 =	vor.u32 s9, v1;
	s8 =	sadd.s32 s8, s28  }
0xf2: {  	[tilespmem:v0+s7+$0x0] =	vst.idx.msk $0xffff, v1;
	v63 =	vmov s8  }
0xf3: {  	s29 =	simm.s32 $0xA000;
	s30 =	simm.s32 $0x2;
	[tilespmem:$0xE010] =	vst v63  }
0xf4: {  	[spmem:s5] =	stream.linear.scatter [tilespmem:s29], [sflag:$0x2], $0x1000, $0x38;
	[tilespmem:$0xE9A0] =	vst v63  }
0xf5: {  	_ =	swait.ge [sflag:s30], $0x1000  }
0xf6: {  	[sflag:s30] =	ssyncset.done $0x0  }
0xf7: {  	s31 =	simm.s32 $0xE010;
	[sflag:s30] =	ssyncadd.s32 $0xFFFFF000  }
0xf8: {  	[spmem:s4] =	stream.linear.scatter [tilespmem:s31], [sflag:$0x2], $0x10, $0x38;
	[tilespmem:$0xE9A0] =	vst v63  }
0xf9: {  	_ =	swait.ge [sflag:s30], $0x10  }
0xfa: {  	[sflag:s30] =	ssyncset.done $0x0  }
0xfb: {  	[sflag:s30] =	ssyncadd.s32 $0xFFFFFFF0  }
0xfc: {  	[bflag:$0x0] =	sbarrier.arrive $0xFFFF  }
.LBB2_10:
0xfd: {  	s7 =	simm.s32 $0x9000;
	s8 =	simm.s32 $0x2  }
0xfe: {  	[tilespmem:s7], [sflag:$0x2] =	stream.linear.gather [spmem:s10], $0x1000, $0x38;
	[tilespmem:$0xE9A0] =	vst v63  }
0xff: {  	_ =	swait.ge [sflag:s8], $0x1000  }
0x100: {  	[sflag:s8] =	ssyncset.done $0x0  }
0x101: {  	s9 =	simm.s32 $0xA000;
	[sflag:s8] =	ssyncadd.s32 $0xFFFFF000  }
0x102: {  	[tilespmem:s9], [sflag:$0x2] =	stream.linear.gather [spmem:s5], $0x1000, $0x38;
	[tilespmem:$0xE9A0] =	vst v63  }
0x103: {  	_ =	swait.ge [sflag:s8], $0x1000  }
0x104: {  	[sflag:s8] =	ssyncset.done $0x0  }
0x105: {  	s23 =	simm.s32 $0xE010;
	[sflag:s8] =	ssyncadd.s32 $0xFFFFF000  }
0x106: {  	[tilespmem:s23], [sflag:$0x2] =	stream.linear.gather [spmem:s4], $0x10, $0x38;
	[tilespmem:$0xE9A0] =	vst v63  }
0x107: {  	_ =	swait.ge [sflag:s8], $0x10  }
0x108: {  	[sflag:s8] =	ssyncset.done $0x0  }
0x109: {  	s24 =	simm.s32 $0xA020;
	[sflag:s8] =	ssyncadd.s32 $0xFFFFFFF0  }
0x10a: {  	v1 =	vld [tilespmem:s24+$0xFFFFFFE0];
	_ =	sdelay $0x3  }
0x10b: {  	v2 =	vld [tilespmem:s24+$0xFFFFFFF0]  }
0x10c: {  	s25 =	simm.s32 $0x6020;
	v0 =	vld [tilespmem:$0xE010];
	v1 =	vand.u32 $0xFFF, v1  }
0x10d: {  	v3 =	vld [tilespmem:s25+$0xFFFFFFE0]  }
0x10e: {  	v4 =	vld [tilespmem:s24+$0x0]  }
0x10f: {  	v5 =	vld [tilespmem:s24+$0x10]  }
0x110: {  	v6 =	vld [tilespmem:s25+$0xFFFFFFF0];
	v2 =	vand.u32 $0xFFF, v2  }
0x111: {  	v7 =	vld.idx.msk [tilespmem:v1+s7+$0x0], $0xffff  }
0x112: {  	s26 =	simm.s32 $0xA060;
	v8 =	vld [tilespmem:s25+$0x0]  }
0x113: {  	s28 =	simm.s32 $0x0;
	v9 =	vld [tilespmem:s26+$0xFFFFFFE0];
	v4 =	vand.u32 $0xFFF, v4;
	v1 =	vlaneseq.u32  }
0x114: {  	v12 =	vld [tilespmem:s25+$0x10];
	v10 =	vor.u32 s28, v1  }
0x115: {  	s4 =	simm.s32 $0xC010;
	v2 =	vld.idx.msk [tilespmem:v2+s7+$0x0], $0xffff;
	vm0 =	vlt.s32 v10, v0  }
0x116: {  	v3 =	vld.idx.msk [tilespmem:v3+s4+$0x0], $0xffff;
	v7 =	vnsel vm0, $0x0, v7  }
0x117: {  	s29 =	simm.s32 $0x10;
	v16 =	vld [tilespmem:s26+$0x0];
	v5 =	vand.u32 $0xFFF, v5;
	v11 =	vmul.f32 $2.000000000e+04, v7  }
0x118: {  	v13 =	vimm.f32 $0.0e+00;
	v15 =	vld.idx.msk [tilespmem:v4+s7+$0x0], $0xffff;
	v14 =	vor.u32 s29, v1  }
0x119: {  	s30 =	simm.s32 $0x20;
	v10 =	vld [tilespmem:s26+$0xFFFFFFF0];
	vm13 =	vlt.s32 v14, v0;
	v11 =	vmul.f32 v11, v7;
	v7 =	vmul.f32 $2.000000000e+02, v7  }
0x11a: {  	s5 =	simm.s32 $0x6060;
	v9 =	vand.u32 $0xFFF, v9;
	v6 =	vld.idx.msk [tilespmem:v6+s4+$0x0], $0xffff;
	v14 =	vor.u32 s30, v1;
	v2 =	vnsel vm13, $0x0, v2  }
0x11b: {  	v4 =	vld [tilespmem:s5+$0xFFFFFFE0];
	v11 =	vadd.f32 v11, v13;
	v3 =	vmul.f32 v3, v7;
	v7 =	vmul.f32 $2.000000000e+04, v2  }
0x11c: {  	v17 =	vld.idx.msk [tilespmem:v5+s7+$0x0], $0xffff;
	vm14 =	vlt.s32 v14, v0  }
0x11d: {  	s31 =	simm.s32 $0x30;
	v5 =	vld [tilespmem:s26+$0x10];
	v11 =	vadd.f32 v11, v3;
	v13 =	vmul.f32 v7, v2;
	v2 =	vmul.f32 $2.000000000e+02, v2  }
0x11e: {  	v14 =	vor.u32 s31, v1;
	v10 =	vand.u32 $0xFFF, v10;
	v7 =	vld.idx.msk [tilespmem:v8+s4+$0x0], $0xffff;
	v8 =	vnsel vm14, $0x0, v15  }
0x11f: {  	v9 =	vld.idx.msk [tilespmem:v9+s7+$0x0], $0xffff;
	v11 =	vadd.f32 v13, v11;
	v2 =	vmul.f32 v6, v2;
	v6 =	vmul.f32 $2.000000000e+04, v8  }
0x120: {  	vm15 =	vlt.s32 v14, v0;
	v3 =	vld [tilespmem:s5+$0xFFFFFFF0]  }
0x121: {  	s8 =	simm.s32 $0x40;
	v14 =	vmul.f32 $2.000000000e+02, v8;
	v11 =	vadd.f32 v11, v2;
	v13 =	vmul.f32 v6, v8;
	v6 =	vld.idx.msk [tilespmem:v12+s4+$0x0], $0xffff  }
0x122: {  	s10 =	simm.s32 $0xA0A0;
	s9 =	simm.s32 $0x4;
	v15 =	vor.u32 s8, v1;
	v8 =	vand.u32 $0xFFF, v16;
	v2 =	vld [tilespmem:s5+$0x0];
	v12 =	vnsel vm15, $0x0, v17  }
.LBB2_11:
0x123: {  	v16 =	vld [tilespmem:s10+$0xFFFFFFE0];
	v11 =	vadd.f32 v13, v11;
	v7 =	vmul.f32 v7, v14;
	v13 =	vmul.f32 $2.000000000e+04, v12  }
0x124: {  	vm0 =	vlt.s32 v15, v0;
	v10 =	vld.idx.msk [tilespmem:v10+s7+$0x0], $0xffff  }
0x125: {  	s11 =	sadd.s32 $0x10, s8;
	v14 =	vld.idx.msk [tilespmem:v4+s4+$0x0], $0xffff;
	v4 =	vadd.f32 v11, v7;
	v7 =	vmul.f32 v13, v12;
	v11 =	vmul.f32 $2.000000000e+02, v12  }
0x126: {  	s9 =	sadd.s32 $0x4, s9;
	v5 =	vand.u32 $0xFFF, v5;
	v9 =	vnsel vm0, $0x0, v9;
	v12 =	vor.u32 s11, v1;
	v15 =	vld [tilespmem:s5+$0x10]  }
0x127: {  	p1 =	slt.u32 s9, $0xFC;
	v17 =	vmul.f32 $2.000000000e+04, v9;
	v13 =	vld [tilespmem:s10+$0xFFFFFFF0];
	v4 =	vadd.f32 v7, v4;
	v6 =	vmul.f32 v6, v11  }
0x128: {  	vm0 =	vlt.s32 v12, v0;
	v8 =	vld.idx.msk [tilespmem:v8+s7+$0x0], $0xffff  }
0x129: {  	s11 =	sadd.s32 $0x20, s8;
	v7 =	vmul.f32 v17, v9;
	v9 =	vmul.f32 $2.000000000e+02, v9;
	v11 =	vld.idx.msk [tilespmem:v3+s4+$0x0], $0xffff;
	v3 =	vadd.f32 v4, v6  }
0x12a: {  	s5 =	sadd.s32 $0x40, s5;
	v6 =	vand.u32 $0xFFF, v16;
	v10 =	vnsel vm0, $0x0, v10;
	v16 =	vor.u32 s11, v1;
	v12 =	vld [tilespmem:s10+$0x0]  }
0x12b: {  	v4 =	vld [tilespmem:s5+$0xFFFFFFE0];
	v3 =	vadd.f32 v7, v3;
	v7 =	vmul.f32 v14, v9;
	v9 =	vmul.f32 $2.000000000e+04, v10  }
0x12c: {  	vm0 =	vlt.s32 v16, v0;
	v16 =	vld.idx.msk [tilespmem:v5+s7+$0x0], $0xffff  }
0x12d: {  	s11 =	sadd.s32 $0x30, s8;
	v17 =	vmul.f32 $2.000000000e+02, v10;
	v14 =	vadd.f32 v3, v7;
	v9 =	vmul.f32 v9, v10;
	v7 =	vld.idx.msk [tilespmem:v2+s4+$0x0], $0xffff  }
.Ltmp7:
0x12e: {  	v10 =	vand.u32 $0xFFF, v13;
	v2 =	vnsel vm0, $0x0, v8;
	v8 =	vor.u32 s11, v1;
	v5 =	vld [tilespmem:s10+$0x10];
	(pc) =	sbr.rel @p1 .LBB2_11-.Ltmp7, $4  }
0x12f: {  	v11 =	vmul.f32 v11, v17;
	v3 =	vld [tilespmem:s5+$0xFFFFFFF0];
	v13 =	vadd.f32 v9, v14;
	v14 =	vmul.f32 $2.000000000e+04, v2  }
0x130: {  	vm0 =	vlt.s32 v8, v0;
	v9 =	vld.idx.msk [tilespmem:v6+s7+$0x0], $0xffff  }
0x131: {  	s8 =	sadd.s32 $0x40, s8;
	v11 =	vadd.f32 v13, v11;
	v13 =	vmul.f32 v14, v2;
	v14 =	vmul.f32 $2.000000000e+02, v2;
	v6 =	vld.idx.msk [tilespmem:v15+s4+$0x0], $0xffff  }
0x132: {  	s10 =	sadd.s32 $0x40, s10;
	v8 =	vand.u32 $0xFFF, v12;
	v15 =	vor.u32 s8, v1;
	v12 =	vnsel vm0, $0x0, v16;
	v2 =	vld [tilespmem:s5+$0x0]  }
0x133: {  	_ =	sdelay $0x1  }
0x134: {  	v11 =	vadd.f32 v13, v11;
	v7 =	vmul.f32 v7, v14;
	v42 =	vmul.f32 $2.000000000e+04, v12  }
0x135: {  	vm0 =	vlt.s32 v15, v0  }
0x136: {  	v10 =	vld.idx.msk [tilespmem:v10+s7+$0x0], $0xffff;
	s9 =	sadd.s32 $0x10, s8;
	v44 =	vmul.f32 $2.000000000e+02, v12;
	v7 =	vadd.f32 v11, v7;
	v43 =	vmul.f32 v42, v12  }
0x137: {  	v4 =	vld.idx.msk [tilespmem:v4+s4+$0x0], $0xffff;
	v45 =	vor.u32 s9, v1;
	v9 =	vnsel vm0, $0x0, v9  }
0x138: {  	v46 =	vmul.f32 $2.000000000e+04, v9;
	v6 =	vmul.f32 v6, v44;
	v7 =	vadd.f32 v43, v7  }
0x139: {  	v5 =	vand.u32 $0xFFF, v5;
	v47 =	vld [tilespmem:s5+$0x10];
	vm13 =	vlt.s32 v45, v0  }
0x13a: {  	v8 =	vld.idx.msk [tilespmem:v8+s7+$0x0], $0xffff;
	s29 =	sadd.s32 $0x20, s8;
	v48 =	vmul.f32 v46, v9;
	v9 =	vmul.f32 $2.000000000e+02, v9;
	v6 =	vadd.f32 v7, v6  }
0x13b: {  	v3 =	vld.idx.msk [tilespmem:v3+s4+$0x0], $0xffff;
	v50 =	vor.u32 s29, v1;
	v49 =	vnsel vm13, $0x0, v10  }
0x13c: {  	v51 =	vmul.f32 $2.000000000e+04, v49;
	v4 =	vmul.f32 v4, v9;
	v6 =	vadd.f32 v48, v6  }
0x13d: {  	vm14 =	vlt.s32 v50, v0  }
0x13e: {  	s30 =	sadd.s32 $0x30, s8;
	v5 =	vld.idx.msk [tilespmem:v5+s7+$0x0], $0xffff;
	v7 =	vmul.f32 $2.000000000e+02, v49;
	v52 =	vmul.f32 v51, v49;
	v4 =	vadd.f32 v6, v4  }
0x13f: {  	v53 =	vor.u32 s30, v1;
	v2 =	vld.idx.msk [tilespmem:v2+s4+$0x0], $0xffff;
	v8 =	vnsel vm14, $0x0, v8  }
0x140: {  	v54 =	vmul.f32 $2.000000000e+04, v8;
	v3 =	vmul.f32 v3, v7;
	v4 =	vadd.f32 v52, v4  }
0x141: {  	vm15 =	vlt.s32 v53, v0  }
0x142: {  	v57 =	vmul.f32 $2.000000000e+02, v8;
	v56 =	vmul.f32 v54, v8;
	v55 =	vadd.f32 v4, v3  }
0x143: {  	v58 =	vld.idx.msk [tilespmem:v47+s4+$0x0], $0xffff;
	v5 =	vnsel vm15, $0x0, v5  }
0x144: {  	v59 =	vmul.f32 v2, v57;
	v60 =	vmul.f32 $2.000000000e+04, v5;
	v0 =	vadd.f32 v56, v55;
	_ =	sdelay $0x1  }
0x145: {  	v62 =	vmul.f32 $2.000000000e+02, v5;
	v61 =	vmul.f32 v60, v5;
	v0 =	vadd.f32 v0, v59;
	_ =	sdelay $0x1  }
0x146: {  	v63 =	vmul.f32 v58, v62;
	v0 =	vadd.f32 v61, v0;
	_ =	sdelay $0x1  }
0x147: {  	v0 =	vadd.f32 v0, v63;
	_ =	sdelay $0x1  }
0x148: {  	s31 =	simm.s32 $0xE160;
	s4 =	simm.s32 $0x2;
	[tilespmem:$0xE160] =	vst v0  }
0x149: {  	[spmem:s6] =	stream.linear.scatter [tilespmem:s31], [sflag:$0x2], $0x10, $0x38;
	[tilespmem:$0xE9A0] =	vst v63  }
0x14a: {  	_ =	swait.ge [sflag:s4], $0x10  }
0x14b: {  	[sflag:s4] =	ssyncset.done $0x0  }
0x14c: {  	[sflag:s4] =	ssyncadd.s32 $0xFFFFFFF0  }
0x14d: {  	[bflag:$0x0] =	sbarrier.arrive $0xFFFF  }
0x14e: {  	_ =	sfence.sel @p0 $0x180000  }
0x14f: {  	[bflag:$0x0] =	sbarrier.arrive @p0 $0xFFFF  }
0x150: {  	_ =	strace @p0 $0x90000047  }
0x151: {  	[bflag:$0x2] =	sbarrier.arrive @p0 $0xFFFF  }
0x152: {  	_ =	shalt @p0  }
.LBB2_13:
0x153: {  	s5 =	simm.s32 $0xE020  }
0x154: {  	[tilespmem:s5], [sflag:$0x2] =	stream.linear.gather [spmem:s2], $0x100, $0x38;
	[tilespmem:$0xE9A0] =	vst v63  }
0x155: {  	_ =	swait.ge [sflag:s4], $0x100  }
0x156: {  	[sflag:s4] =	ssyncset.done $0x0  }
0x157: {  	s29 =	simm.s32 $0xE120;
	[sflag:s4] =	ssyncadd.s32 $0xFFFFFF00  }
0x158: {  	[tilespmem:s29], [sflag:$0x2] =	stream.linear.gather [spmem:s3], $0x40, $0x38;
	[tilespmem:$0xE9A0] =	vst v63  }
0x159: {  	_ =	swait.ge [sflag:s4], $0x40  }
0x15a: {  	[sflag:s4] =	ssyncset.done $0x0  }
0x15b: {  	[sflag:s4] =	ssyncadd.s32 $0xFFFFFFC0  }
0x15c: {  	v0 =	vld [tilespmem:$0xE020];
	_ =	sdelay $0x1  }
0x15d: {  	v1 =	vld [tilespmem:$0xE030];
	_ =	sdelay $0x1  }
0x15e: {  	v2 =	vld [tilespmem:$0xE040]  }
0x15f: {  	v0 =	vadd.f32 $0.0e+00, v0  }
0x160: {  	v3 =	vld [tilespmem:$0xE050]  }
0x161: {  	v0 =	vadd.f32 v1, v0  }
0x162: {  	v48 =	vld [tilespmem:$0xE060]  }
0x163: {  	v0 =	vadd.f32 v2, v0  }
0x164: {  	v49 =	vld [tilespmem:$0xE070]  }
0x165: {  	v0 =	vadd.f32 v3, v0  }
0x166: {  	v50 =	vld [tilespmem:$0xE080]  }
0x167: {  	v0 =	vadd.f32 v48, v0  }
0x168: {  	v51 =	vld [tilespmem:$0xE090]  }
0x169: {  	v0 =	vadd.f32 v49, v0  }
0x16a: {  	v52 =	vld [tilespmem:$0xE0A0]  }
0x16b: {  	v0 =	vadd.f32 v50, v0  }
0x16c: {  	v53 =	vld [tilespmem:$0xE0B0]  }
0x16d: {  	v0 =	vadd.f32 v51, v0  }
0x16e: {  	v54 =	vld [tilespmem:$0xE0C0]  }
0x16f: {  	v0 =	vadd.f32 v52, v0  }
0x170: {  	v55 =	vld [tilespmem:$0xE0D0]  }
0x171: {  	v0 =	vadd.f32 v53, v0  }
0x172: {  	v56 =	vld [tilespmem:$0xE0E0]  }
0x173: {  	v0 =	vadd.f32 v54, v0  }
0x174: {  	v57 =	vld [tilespmem:$0xE0F0]  }
0x175: {  	v0 =	vadd.f32 v55, v0  }
0x176: {  	v58 =	vld [tilespmem:$0xE100]  }
0x177: {  	v0 =	vadd.f32 v56, v0  }
0x178: {  	v59 =	vld [tilespmem:$0xE110]  }
0x179: {  	v0 =	vadd.f32 v57, v0  }
0x17a: {  	v60 =	vld [tilespmem:$0xE120]  }
0x17b: {  	v0 =	vadd.f32 v58, v0  }
0x17c: {  	v61 =	vld [tilespmem:$0xE130]  }
0x17d: {  	v0 =	vadd.f32 v59, v0  }
0x17e: {  	v62 =	vld [tilespmem:$0xE140]  }
0x17f: {  	v0 =	vadd.f32 v60, v0  }
0x180: {  	v63 =	vld [tilespmem:$0xE150]  }
0x181: {  	v0 =	vadd.f32 v61, v0;
	_ =	sdelay $0x1  }
0x182: {  	v0 =	vadd.f32 v62, v0;
	_ =	sdelay $0x1  }
0x183: {  	v0 =	vadd.f32 v63, v0;
	_ =	sdelay $0x1  }
0x184: {  	(xrf2) =	vadd.scan.msk.f32 $0xffff, v0;
	_ =	sdelay $0x9  }
0x185: {  	v0, _, _ =	vpop (xrf2)  }
0x186: {  	v0 =	vbroadcast v0, $0xF;
	_ =	sdelay $0x1  }
0x187: {  	s30 =	simm.s32 $0x0;
	s31 =	simm.s32 $0xE170;
	[tilespmem:$0xE170] =	vst v0  }
0x188: {  	[hbm4b:s1+s30] =	stream.linear.scatter [tilespmem:s31], [sflag:$0x2], $0x10, $0x38;
	[tilespmem:$0xE9A0] =	vst v63  }
0x189: {  	_ =	swait.ge [sflag:s4], $0x10  }
0x18a: {  	[sflag:s4] =	ssyncset.done $0x0  }
0x18b: {  	[sflag:s4] =	ssyncadd.s32 $0xFFFFFFF0  }
.LBB2_16:
0x18c: {  	_ =	sfence.sel $0x180000  }
0x18d: {  	[bflag:$0x0] =	sbarrier.arrive $0xFFFF  }
0x18e: {  	_ =	strace $0x90000047  }
0x18f: {  	s0 =	sadd.s32 @!p0 $0x100000, s0;
	[bflag:$0x2] =	sbarrier.arrive $0xFFFF  }
0x190: {  	[sflag:s0] =	ssyncadd.tile.s32 @!p0 $0x1;
	_ =	shalt  }
.Lfunc_end2:
_tile_overlayer_lowered:
.L_overlay_start_2:
0x191: {  	(tag) =	ssettag $0x2  }
0x192: {  	s0 =	rddreg [dreg:$0x0];
	s2 =	stileid.u32  }
0x193: {  	s1 =	rddreg [dreg:$0x1];
	p0 =	sne.s32 s2, $0x0  }
0x194: {  	s3 =	rddreg [dreg:$0x2];
	[bflag:$0x3] =	sbarrier.arrive $0xFFFF;
	s2 =	simm.s32 @!p0 $0x1C02  }
0x195: {  	[timem:s3], [sflag:s2] =	dma.local @!p0 [hbm:s0], s1  }
0x196: {  	s0 =	simm.s32 @!p0 $0x2  }
0x197: {  	_ =	swait.ge @!p0 [sflag:s0], s1  }
0x198: {  	s1 =	ssub.s32 @!p0 $0x0, s1;
	[sflag:s0] =	ssyncset.done @!p0 $0x0  }
0x199: {  	[sflag:s0] =	ssyncadd.s32 @!p0 s1  }
0x19a: {  	[bflag:$0x3] =	sbarrier.arrive $0xFFFF  }
0x19b: {  	_ =	shalt  }

</sc_bundles>
